<compile_context>
chip_gen: v7x
topology: tpu7x:2x2x1
jax: 0.10.2.dev20260603
libtpu: 0.0.44.dev20260713+nightly
codegen_flags: <defaults>
</compile_context>

<pallas_src>
import functools

import jax
import jax.numpy as jnp
from jax import lax
from jax.experimental import pallas as pl
from jax.experimental.pallas import tpu as pltpu
from jax.experimental.pallas import tpu_sc as plsc

NC = 2
NS = 16
NW = NC * NS
CH = 128
CH2 = 512
CH3 = 1024


def _sc_segment_sum(p, src2d, dst2d, zeros, n_pad, ch):
  F = p.shape[1]
  e_tile = src2d.shape[1]
  nfull = e_tile // ch
  tail = e_tile - nfull * ch
  rows_per_tile = n_pad // NS
  mesh = plsc.VectorSubcoreMesh(
      core_axis_name="c", subcore_axis_name="s", num_cores=NC,
      num_subcores=NS)

  @functools.partial(
      pl.kernel,
      out_type=jax.ShapeDtypeStruct((2 * n_pad, F), jnp.float32),
      mesh=mesh,
      compiler_params=pltpu.CompilerParams(use_tc_tiling_on_sc=False),
      scratch_types=[
          pltpu.VMEM((e_tile,), jnp.int32),
          pltpu.VMEM((e_tile,), jnp.int32),
          pltpu.VMEM((ch, F), jnp.float32),
          pltpu.VMEM_SHARED((n_pad, F), jnp.float32),
          pltpu.SemaphoreType.DMA,
      ],
  )
  def seg_kernel(p_hbm, src_hbm, dst_hbm, z_hbm, out_hbm,
                 src_v, dst_v, buf, agg_sh, sem):
    c = lax.axis_index("c")
    s = lax.axis_index("s")
    wid = c * NS + s
    r0 = s * rows_per_tile
    pltpu.sync_copy(src_hbm.at[wid], src_v)
    pltpu.sync_copy(dst_hbm.at[wid], dst_v)
    pltpu.sync_copy(z_hbm.at[pl.ds(r0, rows_per_tile)],
                    agg_sh.at[pl.ds(r0, rows_per_tile)])
    plsc.subcore_barrier()

    def body(j, carry):
      pltpu.async_copy(p_hbm.at[src_v.at[pl.ds(j * ch, ch)]], buf, sem).wait()
      pltpu.sync_copy(buf, agg_sh.at[dst_v.at[pl.ds(j * ch, ch)]], add=True)
      return carry

    lax.fori_loop(0, nfull, body, 0)
    if tail:
      o = nfull * ch
      pltpu.async_copy(p_hbm.at[src_v.at[pl.ds(o, tail)]],
                       buf.at[pl.ds(0, tail)], sem).wait()
      pltpu.sync_copy(buf.at[pl.ds(0, tail)],
                      agg_sh.at[dst_v.at[pl.ds(o, tail)]], add=True)
    plsc.subcore_barrier()
    pltpu.sync_copy(agg_sh.at[pl.ds(r0, rows_per_tile)],
                    out_hbm.at[pl.ds(c * n_pad + r0, rows_per_tile)])

  return seg_kernel(p, src2d, dst2d, zeros)


def _project1(x, wlT, wrT, n_pad, blk):
  D = x.shape[1]
  F1 = wlT.shape[1]
  grid = n_pad // blk

  def body(x_ref, wl_ref, wr_ref, p_ref, q_ref):
    xb = x_ref[...]
    pb = jnp.dot(xb, wl_ref[...], preferred_element_type=jnp.float32)
    q_ref[...] = jnp.dot(xb, wr_ref[...], preferred_element_type=jnp.float32)
    ones = jnp.ones((blk, 1), jnp.float32)
    zer = jnp.zeros((blk, 15), jnp.float32)
    p_ref[...] = jnp.concatenate([pb, ones, zer], axis=1)

  return pl.pallas_call(
      body,
      grid=(grid,),
      in_specs=[
          pl.BlockSpec((blk, D), lambda i: (i, 0)),
          pl.BlockSpec((D, F1), lambda i: (0, 0)),
          pl.BlockSpec((D, F1), lambda i: (0, 0)),
      ],
      out_specs=[
          pl.BlockSpec((blk, F1 + 16), lambda i: (i, 0)),
          pl.BlockSpec((blk, F1), lambda i: (i, 0)),
      ],
      out_shape=[
          jax.ShapeDtypeStruct((n_pad, F1 + 16), jnp.float32),
          jax.ShapeDtypeStruct((n_pad, F1), jnp.float32),
      ],
  )(x, wlT, wrT)


def _combine1(parts, q1, b1, wlT2, wrT2, n_pad, blk):
  Fw = parts.shape[1]
  F1 = Fw - 16
  F2 = wlT2.shape[1]
  grid = n_pad // blk

  def body(pa_ref, pb_ref, q_ref, b_ref, wl_ref, wr_ref,
           p2_ref, q2_ref, inv_ref):
    ps = pa_ref[...] + pb_ref[...]
    cnt = ps[:, F1:F1 + 1]
    inv = 1.0 / jnp.maximum(cnt, 1.0)
    o = ps[:, :F1] * inv + b_ref[...] + q_ref[...]
    nrm = jnp.sqrt(jnp.sum(o * o, axis=1, keepdims=True))
    h = o / jnp.maximum(nrm, 1e-12)
    h = jnp.maximum(h, 0.0)
    p2_ref[...] = jnp.dot(h, wl_ref[...], preferred_element_type=jnp.float32)
    q2_ref[...] = jnp.dot(h, wr_ref[...], preferred_element_type=jnp.float32)
    inv_ref[...] = inv

  return pl.pallas_call(
      body,
      grid=(grid,),
      in_specs=[
          pl.BlockSpec((blk, Fw), lambda i: (i, 0)),
          pl.BlockSpec((blk, Fw), lambda i: (i + grid, 0)),
          pl.BlockSpec((blk, F1), lambda i: (i, 0)),
          pl.BlockSpec((1, F1), lambda i: (0, 0)),
          pl.BlockSpec((F1, F2), lambda i: (0, 0)),
          pl.BlockSpec((F1, F2), lambda i: (0, 0)),
      ],
      out_specs=[
          pl.BlockSpec((blk, F2), lambda i: (i, 0)),
          pl.BlockSpec((blk, F2), lambda i: (i, 0)),
          pl.BlockSpec((blk, 1), lambda i: (i, 0)),
      ],
      out_shape=[
          jax.ShapeDtypeStruct((n_pad, F2), jnp.float32),
          jax.ShapeDtypeStruct((n_pad, F2), jnp.float32),
          jax.ShapeDtypeStruct((n_pad, 1), jnp.float32),
      ],
  )(parts, parts, q1, b1[None, :], wlT2, wrT2)


def _combine2(parts, q2, b2, inv, wlT3, wrT3, n_pad, blk):
  F2 = parts.shape[1]
  F3 = wlT3.shape[1]
  grid = n_pad // blk

  def body(pa_ref, pb_ref, q_ref, b_ref, inv_ref, wl_ref, wr_ref,
           p3_ref, q3_ref):
    ps = pa_ref[...] + pb_ref[...]
    o = ps * inv_ref[...] + b_ref[...] + q_ref[...]
    nrm = jnp.sqrt(jnp.sum(o * o, axis=1, keepdims=True))
    h = o / jnp.maximum(nrm, 1e-12)
    h = jnp.maximum(h, 0.0)
    p3_ref[...] = jnp.dot(h, wl_ref[...], preferred_element_type=jnp.float32)
    q3_ref[...] = jnp.dot(h, wr_ref[...], preferred_element_type=jnp.float32)

  return pl.pallas_call(
      body,
      grid=(grid,),
      in_specs=[
          pl.BlockSpec((blk, F2), lambda i: (i, 0)),
          pl.BlockSpec((blk, F2), lambda i: (i + grid, 0)),
          pl.BlockSpec((blk, F2), lambda i: (i, 0)),
          pl.BlockSpec((1, F2), lambda i: (0, 0)),
          pl.BlockSpec((blk, 1), lambda i: (i, 0)),
          pl.BlockSpec((F2, F3), lambda i: (0, 0)),
          pl.BlockSpec((F2, F3), lambda i: (0, 0)),
      ],
      out_specs=[
          pl.BlockSpec((blk, F3), lambda i: (i, 0)),
          pl.BlockSpec((blk, F3), lambda i: (i, 0)),
      ],
      out_shape=[
          jax.ShapeDtypeStruct((n_pad, F3), jnp.float32),
          jax.ShapeDtypeStruct((n_pad, F3), jnp.float32),
      ],
  )(parts, parts, q2, b2[None, :], inv, wlT3, wrT3)


def _final(parts, q3, b3, inv, watt, wfcT, bfc, wsT, bs, n, n_pad):
  F3 = watt.shape[0]
  HID = wfcT.shape[1]

  def body(pa_ref, pb_ref, q_ref, b_ref, inv_ref, wa_ref, wfc_ref, bfc_ref,
           ws_ref, bs_ref, out_ref):
    ps = pa_ref[...] + pb_ref[...]
    o = ps * inv_ref[...] + b_ref[...] + q_ref[...]
    nrm = jnp.sqrt(jnp.sum(o * o, axis=1, keepdims=True))
    h = o / jnp.maximum(nrm, 1e-12)
    cs = jnp.sum(h, axis=0, keepdims=True) / n
    gc = jnp.dot(cs, wa_ref[...], preferred_element_type=jnp.float32)
    tg = jnp.tanh(gc)
    scores = jax.nn.sigmoid(jnp.sum(h * tg, axis=1, keepdims=True))
    rep = jnp.sum(h * scores, axis=0, keepdims=True)
    s1 = jnp.dot(rep, wfc_ref[...], preferred_element_type=jnp.float32)
    s1 = jnp.maximum(s1 + bfc_ref[...], 0.0)
    s2 = jnp.dot(s1, ws_ref[...], preferred_element_type=jnp.float32)
    out_ref[...] = jax.nn.sigmoid(s2 + bs_ref[...])

  return pl.pallas_call(
      body,
      in_specs=[
          pl.BlockSpec((n, F3), lambda: (0, 0)),
          pl.BlockSpec((n, F3), lambda: (0, 0)),
          pl.BlockSpec((n, F3), lambda: (0, 0)),
          pl.BlockSpec((1, F3), lambda: (0, 0)),
          pl.BlockSpec((n, 1), lambda: (0, 0)),
          pl.BlockSpec((F3, F3), lambda: (0, 0)),
          pl.BlockSpec((F3, HID), lambda: (0, 0)),
          pl.BlockSpec((1, HID), lambda: (0, 0)),
          pl.BlockSpec((HID, 1), lambda: (0, 0)),
          pl.BlockSpec((1, 1), lambda: (0, 0)),
      ],
      out_specs=pl.BlockSpec((1, 1), lambda: (0, 0)),
      out_shape=jax.ShapeDtypeStruct((1, 1), jnp.float32),
  )(parts[:n], parts[n_pad:n_pad + n], q3[:n], b3[None, :], inv[:n],
    watt, wfcT, bfc[None, :], wsT, bs[None, :])


def kernel(features_1, edge_index_1, W_l1, b_l1, W_r1, W_l2, b_l2, W_r2,
           W_l3, b_l3, W_r3, W_att, W_fc, b_fc, W_s, b_s):
  n, d = features_1.shape
  e = edge_index_1.shape[1]

  n_pad = ((n + NS * 8 - 1) // (NS * 8)) * (NS * 8)
  e_tile = ((e + NW * CH - 1) // (NW * CH)) * CH
  e_pad = e_tile * NW

  f1 = W_l1.shape[0]
  f2 = W_l2.shape[0]
  f3 = W_l3.shape[0]

  x = jnp.zeros((n_pad, d), jnp.float32).at[:n].set(features_1)
  src = jnp.concatenate(
      [edge_index_1[0].astype(jnp.int32),
       jnp.zeros((e_pad - e,), jnp.int32)]).reshape(NW, e_tile)
  pad_dst = n + jnp.arange(e_pad - e, dtype=jnp.int32) % (n_pad - n)
  dst = jnp.concatenate(
      [edge_index_1[1].astype(jnp.int32), pad_dst]).reshape(NW, e_tile)
  del pad_dst

  z1 = jnp.zeros((n_pad, f1 + 16), jnp.float32)
  z2 = jnp.zeros((n_pad, f2), jnp.float32)
  z3 = jnp.zeros((n_pad, f3), jnp.float32)

  blk = n_pad // 8

  p1, q1 = _project1(x, W_l1.T, W_r1.T, n_pad, blk)
  parts1 = _sc_segment_sum(p1, src, dst, z1, n_pad, CH)
  p2, q2, inv = _combine1(parts1, q1, b_l1, W_l2.T, W_r2.T, n_pad, blk)
  parts2 = _sc_segment_sum(p2, src, dst, z2, n_pad, CH2)
  p3, q3 = _combine2(parts2, q2, b_l2, inv, W_l3.T, W_r3.T, n_pad, blk)
  parts3 = _sc_segment_sum(p3, src, dst, z3, n_pad, CH3)
  return _final(parts3, q3, b_l3, inv, W_att, W_fc.T, b_fc, W_s.T, b_s,
                n, n_pad)

# --- scband reference (transcript-rebuilt; emitter-appended) ---
"""Pipeline reference for scband-func-gnn-23931557773531 (READ-ONLY COPY).

The authoritative reference and input builder live on the scoring server;
editing this copy changes nothing except your own understanding.
"""

import jax, jax.numpy as jnp
import numpy as np

N = 10000
E = 320000
D = 128
F1, F2, F3 = 128, 64, 32
HID = 16


def _glorot(key, shape):
    fan_in, fan_out = shape[1], shape[0]
    lim = jnp.sqrt(6.0 / (fan_in + fan_out))
    return jax.random.uniform(key, shape, jnp.float32, -lim, lim)


def setup_inputs(seed: int = 0) -> dict:
    key = jax.random.key(seed)
    ks = [jax.random.fold_in(key, i) for i in range(20)]
    inp = {}
    inp["features_1"] = jax.random.normal(ks[0], (N, D), jnp.float32)
    inp["edge_index_1"] = jax.random.randint(ks[1], (2, E), 0, N, jnp.int64)
    # SAGEConv layer 1 (in=D, out=F1): lin_l (bias), lin_r (no bias)
    inp["W_l1"] = _glorot(ks[2], (F1, D)); inp["b_l1"] = jnp.zeros((F1,), jnp.float32)
    inp["W_r1"] = _glorot(ks[3], (F1, D))
    # layer 2 (F1 -> F2)
    inp["W_l2"] = _glorot(ks[4], (F2, F1)); inp["b_l2"] = jnp.zeros((F2,), jnp.float32)
    inp["W_r2"] = _glorot(ks[5], (F2, F1))
    # layer 3 (F2 -> F3)
    inp["W_l3"] = _glorot(ks[6], (F3, F2)); inp["b_l3"] = jnp.zeros((F3,), jnp.float32)
    inp["W_r3"] = _glorot(ks[7], (F3, F2))
    # attention module
    inp["W_att"] = _glorot(ks[8], (F3, F3))
    # dense head
    inp["W_fc"] = _glorot(ks[9], (HID, F3)); inp["b_fc"] = jnp.zeros((HID,), jnp.float32)
    inp["W_s"] = _glorot(ks[10], (1, HID)); inp["b_s"] = jnp.zeros((1,), jnp.float32)
    return inp


def _sage_conv(x, edge_index, W_l, b_l, W_r):
    # PyG SAGEConv, aggr='mean', flow source_to_target: aggregate x[src] into dst
    src = edge_index[0]
    dst = edge_index[1]
    msgs = jnp.take(x, src, axis=0)
    agg = jax.ops.segment_sum(msgs, dst, num_segments=N)
    cnt = jax.ops.segment_sum(jnp.ones((msgs.shape[0],), jnp.float32), dst, num_segments=N)
    mean = agg / jnp.clip(cnt, 1.0)[:, None]
    out = mean @ W_l.T + b_l + x @ W_r.T
    # normalize=True -> L2 normalize per node
    nrm = jnp.linalg.norm(out, axis=-1, keepdims=True)
    out = out / jnp.clip(nrm, 1e-12)
    return out


def _attention(x, W_att):
    # SimGNN-style attention pooling
    global_context = jnp.mean(x @ W_att, axis=0)
    transformed_global = jnp.tanh(global_context)
    sigmoid_scores = jax.nn.sigmoid(x @ transformed_global[:, None])  # [N, 1]
    representation = x.T @ sigmoid_scores  # [F3, 1]
    return representation


def reference(features_1, edge_index_1, W_l1, b_l1, W_r1, W_l2, b_l2, W_r2,
              W_l3, b_l3, W_r3, W_att, W_fc, b_fc, W_s, b_s):
    h = _sage_conv(features_1, edge_index_1, W_l1, b_l1, W_r1)
    h = jax.nn.relu(h)
    # dropout is identity in eval mode
    h = _sage_conv(h, edge_index_1, W_l2, b_l2, W_r2)
    h = jax.nn.relu(h)
    h = _sage_conv(h, edge_index_1, W_l3, b_l3, W_r3)
    pooled = _attention(h, W_att).T  # [1, F3]
    scores = jax.nn.relu(pooled @ W_fc.T + b_fc)  # [1, 16]
    score = jax.nn.sigmoid(scores @ W_s.T + b_s)  # [1, 1]
    return score

if __name__ == "__main__":
    import jax
    _d = setup_inputs()
    print(jax.jit(kernel)(*tuple(_d.values())))

</pallas_src>

<mosaic_0001>
#map = affine_map<(d0, d1) -> (0, 0)>
module attributes {stable_mosaic.version = 14 : i64} {
  func.func @seg_kernel(%arg0: i32, %arg1: i32, %arg2: memref<10112x64xf32, #tpu.memory_space<hbm>>, %arg3: memref<32x10112xi32, #tpu.memory_space<hbm>>, %arg4: memref<32x10112xi32, #tpu.memory_space<hbm>>, %arg5: memref<10112x64xf32, #tpu.memory_space<hbm>>, %arg6: memref<20224x64xf32, #tpu.memory_space<hbm>>, %arg7: memref<10112xi32, #tpu.memory_space<vmem>>, %arg8: memref<10112xi32, #tpu.memory_space<vmem>>, %arg9: memref<512x64xf32, #tpu.memory_space<vmem>>, %arg10: memref<10112x64xf32, #tpu.memory_space<vmem_shared>>, %arg11: memref<!tpu.dma_semaphore, #tpu.memory_space<semaphore_mem>>) attributes {dimension_semantics = [#tpu.dimension_semantics<core_parallel>, #tpu.dimension_semantics<subcore_parallel>], iteration_bounds = array<i64: 2, 16>, scalar_prefetch = 0 : i64, scratch_operands = 5 : i64, tpu.core_type = #tpu.core_type<sc_vector_subcore>, window_params = [{transform_indices = #map}, {transform_indices = #map}, {transform_indices = #map}, {transform_indices = #map}, {transform_indices = #map}]} {
    %mul3A = arith.constant 16 : i32
    %mul3A_0 = arith.muli %arg0, %mul3A : i32
    %add3A = arith.addi %mul3A_0, %arg1 : i32
    %mul3A_1 = arith.constant 632 : i32
    %mul3A_2 = arith.muli %arg1, %mul3A_1 : i32
    "tpu.region"() ({
      %run_scoped3A = tpu.sem_alloc : memref<!tpu.dma_semaphore, #tpu.memory_space<semaphore_mem>>
      %dma_start3A_26 = arith.constant 0 : i32
      %dma_start3A_27 = tpu.memref_slice %arg3[%add3A, %dma_start3A_26] : memref<32x10112xi32, #tpu.memory_space<hbm>> -> memref<1x10112xi32, #tpu.memory_space<hbm>>
      %dma_start3A_28 = tpu.memref_squeeze %dma_start3A_27 : memref<1x10112xi32, #tpu.memory_space<hbm>> -> memref<10112xi32, #tpu.memory_space<hbm>>
      %dma_start3A_29 = arith.constant 0 : i32
      %dma_start3A_30 = tpu.memref_slice %arg3[%add3A, %dma_start3A_29] : memref<32x10112xi32, #tpu.memory_space<hbm>> -> memref<1x10112xi32, #tpu.memory_space<hbm>>
      %dma_start3A_31 = tpu.memref_squeeze %dma_start3A_30 : memref<1x10112xi32, #tpu.memory_space<hbm>> -> memref<10112xi32, #tpu.memory_space<hbm>>
      tpu.enqueue_dma source(%dma_start3A_31 : memref<10112xi32, #tpu.memory_space<hbm>>) target(%arg7 : memref<10112xi32, #tpu.memory_space<vmem>>) target_semaphore(%run_scoped3A : memref<!tpu.dma_semaphore, #tpu.memory_space<semaphore_mem>>)
      %dma_wait3A_32 = arith.constant 0 : i32
      %dma_wait3A_33 = tpu.memref_slice %arg3[%add3A, %dma_wait3A_32] : memref<32x10112xi32, #tpu.memory_space<hbm>> -> memref<1x10112xi32, #tpu.memory_space<hbm>>
      %dma_wait3A_34 = tpu.memref_squeeze %dma_wait3A_33 : memref<1x10112xi32, #tpu.memory_space<hbm>> -> memref<10112xi32, #tpu.memory_space<hbm>>
      %dma_wait3A_35 = arith.constant 0 : i32
      %dma_wait3A_36 = tpu.memref_slice %arg3[%add3A, %dma_wait3A_35] : memref<32x10112xi32, #tpu.memory_space<hbm>> -> memref<1x10112xi32, #tpu.memory_space<hbm>>
      %dma_wait3A_37 = tpu.memref_squeeze %dma_wait3A_36 : memref<1x10112xi32, #tpu.memory_space<hbm>> -> memref<10112xi32, #tpu.memory_space<hbm>>
      tpu.wait_dma2 semaphore(%run_scoped3A : memref<!tpu.dma_semaphore, #tpu.memory_space<semaphore_mem>>) src(%dma_wait3A_37 : memref<10112xi32, #tpu.memory_space<hbm>>) dst(%arg7 : memref<10112xi32, #tpu.memory_space<vmem>>)
      tpu.yield
    }) : () -> ()
    "tpu.region"() ({
      %run_scoped3A = tpu.sem_alloc : memref<!tpu.dma_semaphore, #tpu.memory_space<semaphore_mem>>
      %dma_start3A_26 = arith.constant 0 : i32
      %dma_start3A_27 = tpu.memref_slice %arg4[%add3A, %dma_start3A_26] : memref<32x10112xi32, #tpu.memory_space<hbm>> -> memref<1x10112xi32, #tpu.memory_space<hbm>>
      %dma_start3A_28 = tpu.memref_squeeze %dma_start3A_27 : memref<1x10112xi32, #tpu.memory_space<hbm>> -> memref<10112xi32, #tpu.memory_space<hbm>>
      %dma_start3A_29 = arith.constant 0 : i32
      %dma_start3A_30 = tpu.memref_slice %arg4[%add3A, %dma_start3A_29] : memref<32x10112xi32, #tpu.memory_space<hbm>> -> memref<1x10112xi32, #tpu.memory_space<hbm>>
      %dma_start3A_31 = tpu.memref_squeeze %dma_start3A_30 : memref<1x10112xi32, #tpu.memory_space<hbm>> -> memref<10112xi32, #tpu.memory_space<hbm>>
      tpu.enqueue_dma source(%dma_start3A_31 : memref<10112xi32, #tpu.memory_space<hbm>>) target(%arg8 : memref<10112xi32, #tpu.memory_space<vmem>>) target_semaphore(%run_scoped3A : memref<!tpu.dma_semaphore, #tpu.memory_space<semaphore_mem>>)
      %dma_wait3A_32 = arith.constant 0 : i32
      %dma_wait3A_33 = tpu.memref_slice %arg4[%add3A, %dma_wait3A_32] : memref<32x10112xi32, #tpu.memory_space<hbm>> -> memref<1x10112xi32, #tpu.memory_space<hbm>>
      %dma_wait3A_34 = tpu.memref_squeeze %dma_wait3A_33 : memref<1x10112xi32, #tpu.memory_space<hbm>> -> memref<10112xi32, #tpu.memory_space<hbm>>
      %dma_wait3A_35 = arith.constant 0 : i32
      %dma_wait3A_36 = tpu.memref_slice %arg4[%add3A, %dma_wait3A_35] : memref<32x10112xi32, #tpu.memory_space<hbm>> -> memref<1x10112xi32, #tpu.memory_space<hbm>>
      %dma_wait3A_37 = tpu.memref_squeeze %dma_wait3A_36 : memref<1x10112xi32, #tpu.memory_space<hbm>> -> memref<10112xi32, #tpu.memory_space<hbm>>
      tpu.wait_dma2 semaphore(%run_scoped3A : memref<!tpu.dma_semaphore, #tpu.memory_space<semaphore_mem>>) src(%dma_wait3A_37 : memref<10112xi32, #tpu.memory_space<hbm>>) dst(%arg8 : memref<10112xi32, #tpu.memory_space<vmem>>)
      tpu.yield
    }) : () -> ()
    "tpu.region"() ({
      %run_scoped3A = tpu.sem_alloc : memref<!tpu.dma_semaphore, #tpu.memory_space<semaphore_mem>>
      %dma_start3A_26 = arith.constant 0 : i32
      %dma_start3A_27 = tpu.memref_slice %arg10[%mul3A_2, %dma_start3A_26] : memref<10112x64xf32, #tpu.memory_space<vmem_shared>> -> memref<632x64xf32, #tpu.memory_space<vmem_shared>>
      %dma_start3A_28 = arith.constant 0 : i32
      %dma_start3A_29 = tpu.memref_slice %arg5[%mul3A_2, %dma_start3A_28] : memref<10112x64xf32, #tpu.memory_space<hbm>> -> memref<632x64xf32, #tpu.memory_space<hbm>>
      tpu.enqueue_dma source(%dma_start3A_29 : memref<632x64xf32, #tpu.memory_space<hbm>>) target(%dma_start3A_27 : memref<632x64xf32, #tpu.memory_space<vmem_shared>>) target_semaphore(%run_scoped3A : memref<!tpu.dma_semaphore, #tpu.memory_space<semaphore_mem>>)
      %dma_wait3A_30 = arith.constant 0 : i32
      %dma_wait3A_31 = tpu.memref_slice %arg10[%mul3A_2, %dma_wait3A_30] : memref<10112x64xf32, #tpu.memory_space<vmem_shared>> -> memref<632x64xf32, #tpu.memory_space<vmem_shared>>
      %dma_wait3A_32 = arith.constant 0 : i32
      %dma_wait3A_33 = tpu.memref_slice %arg5[%mul3A_2, %dma_wait3A_32] : memref<10112x64xf32, #tpu.memory_space<hbm>> -> memref<632x64xf32, #tpu.memory_space<hbm>>
      tpu.wait_dma2 semaphore(%run_scoped3A : memref<!tpu.dma_semaphore, #tpu.memory_space<semaphore_mem>>) src(%dma_wait3A_33 : memref<632x64xf32, #tpu.memory_space<hbm>>) dst(%dma_wait3A_31 : memref<632x64xf32, #tpu.memory_space<vmem_shared>>)
      tpu.yield
    }) : () -> ()
    %barrier3A = arith.constant 0 : index
    tpu.barrier barrier_id(%barrier3A)
    %scan3A = arith.constant 0 : i32
    %scan3A_3 = arith.constant 0 : i32
    %scan3A_4 = arith.constant 19 : i32
    %scan3A_5 = arith.addi %scan3A_3, %scan3A_4 : i32
    %scan3A_6 = arith.constant 1 : i32
    scf.for %scan3A_26 = %scan3A_3 to %scan3A_5 step %scan3A_6  : i32 {
      %mul3A_27 = arith.constant 512 : i32
      %mul3A_28 = arith.muli %scan3A_26, %mul3A_27 : i32
      %dma_start3A_29 = tpu.memref_slice %arg7[%mul3A_28] : memref<10112xi32, #tpu.memory_space<vmem>> -> memref<512xi32, #tpu.memory_space<vmem>>
      %dma_start3A_30 = arith.constant 0 : i32
      %dma_start3A_31 = arith.constant 0 : i32
      %dma_start3A_32 = tpu.memref_slice %arg2[%dma_start3A_30, %dma_start3A_31] : memref<10112x64xf32, #tpu.memory_space<hbm>> -> memref<10112x64xf32, #tpu.memory_space<hbm>>
      tpu.enqueue_indirect_dma source(%dma_start3A_32 : memref<10112x64xf32, #tpu.memory_space<hbm>>) target(%arg9 : memref<512x64xf32, #tpu.memory_space<vmem>>) offsets(%dma_start3A_29 : memref<512xi32, #tpu.memory_space<vmem>>) semaphore(%arg11 : memref<!tpu.dma_semaphore, #tpu.memory_space<semaphore_mem>>)
      %dma_wait3A_33 = tpu.memref_slice %arg7[%mul3A_28] : memref<10112xi32, #tpu.memory_space<vmem>> -> memref<512xi32, #tpu.memory_space<vmem>>
      %dma_wait3A_34 = arith.constant 0 : i32
      %dma_wait3A_35 = arith.constant 0 : i32
      %dma_wait3A_36 = tpu.memref_slice %arg2[%dma_wait3A_34, %dma_wait3A_35] : memref<10112x64xf32, #tpu.memory_space<hbm>> -> memref<10112x64xf32, #tpu.memory_space<hbm>>
      tpu.wait_indirect_dma semaphore(%arg11 : memref<!tpu.dma_semaphore, #tpu.memory_space<semaphore_mem>>) src(%dma_wait3A_36 : memref<10112x64xf32, #tpu.memory_space<hbm>>) dst(%arg9 : memref<512x64xf32, #tpu.memory_space<vmem>>)
      %mul3A_37 = arith.constant 512 : i32
      %mul3A_38 = arith.muli %scan3A_26, %mul3A_37 : i32
      "tpu.region"() ({
        %run_scoped3A = tpu.sem_alloc : memref<!tpu.dma_semaphore, #tpu.memory_space<semaphore_mem>>
        %dma_start3A_39 = tpu.memref_slice %arg8[%mul3A_38] : memref<10112xi32, #tpu.memory_space<vmem>> -> memref<512xi32, #tpu.memory_space<vmem>>
        %dma_start3A_40 = arith.constant 0 : i32
        %dma_start3A_41 = arith.constant 0 : i32
        %dma_start3A_42 = tpu.memref_slice %arg10[%dma_start3A_40, %dma_start3A_41] : memref<10112x64xf32, #tpu.memory_space<vmem_shared>> -> memref<10112x64xf32, #tpu.memory_space<vmem_shared>>
        tpu.enqueue_indirect_dma source(%arg9 : memref<512x64xf32, #tpu.memory_space<vmem>>) target(%dma_start3A_42 : memref<10112x64xf32, #tpu.memory_space<vmem_shared>>) offsets(%dma_start3A_39 : memref<512xi32, #tpu.memory_space<vmem>>) semaphore(%run_scoped3A : memref<!tpu.dma_semaphore, #tpu.memory_space<semaphore_mem>>) {add = true}
        %dma_wait3A_43 = tpu.memref_slice %arg8[%mul3A_38] : memref<10112xi32, #tpu.memory_space<vmem>> -> memref<512xi32, #tpu.memory_space<vmem>>
        %dma_wait3A_44 = arith.constant 0 : i32
        %dma_wait3A_45 = arith.constant 0 : i32
        %dma_wait3A_46 = tpu.memref_slice %arg10[%dma_wait3A_44, %dma_wait3A_45] : memref<10112x64xf32, #tpu.memory_space<vmem_shared>> -> memref<10112x64xf32, #tpu.memory_space<vmem_shared>>
        tpu.wait_indirect_dma semaphore(%run_scoped3A : memref<!tpu.dma_semaphore, #tpu.memory_space<semaphore_mem>>) src(%arg9 : memref<512x64xf32, #tpu.memory_space<vmem>>) dst(%dma_wait3A_46 : memref<10112x64xf32, #tpu.memory_space<vmem_shared>>)
        tpu.yield
      }) : () -> ()
    }
    %scan3A_7 = arith.constant 19 : i32
    %dma_start3A = arith.constant 0 : i32
    %dma_start3A_8 = arith.constant 0 : i32
    %dma_start3A_9 = tpu.memref_slice %arg9[%dma_start3A, %dma_start3A_8] : memref<512x64xf32, #tpu.memory_space<vmem>> -> memref<384x64xf32, #tpu.memory_space<vmem>>
    %dma_start3A_10 = arith.constant 9728 : i32
    %dma_start3A_11 = tpu.memref_slice %arg7[%dma_start3A_10] : memref<10112xi32, #tpu.memory_space<vmem>> -> memref<384xi32, #tpu.memory_space<vmem>>
    %dma_start3A_12 = arith.constant 0 : i32
    %dma_start3A_13 = arith.constant 0 : i32
    %dma_start3A_14 = tpu.memref_slice %arg2[%dma_start3A_12, %dma_start3A_13] : memref<10112x64xf32, #tpu.memory_space<hbm>> -> memref<10112x64xf32, #tpu.memory_space<hbm>>
    tpu.enqueue_indirect_dma source(%dma_start3A_14 : memref<10112x64xf32, #tpu.memory_space<hbm>>) target(%dma_start3A_9 : memref<384x64xf32, #tpu.memory_space<vmem>>) offsets(%dma_start3A_11 : memref<384xi32, #tpu.memory_space<vmem>>) semaphore(%arg11 : memref<!tpu.dma_semaphore, #tpu.memory_space<semaphore_mem>>)
    %dma_wait3A = arith.constant 0 : i32
    %dma_wait3A_15 = arith.constant 0 : i32
    %dma_wait3A_16 = tpu.memref_slice %arg9[%dma_wait3A, %dma_wait3A_15] : memref<512x64xf32, #tpu.memory_space<vmem>> -> memref<384x64xf32, #tpu.memory_space<vmem>>
    %dma_wait3A_17 = arith.constant 9728 : i32
    %dma_wait3A_18 = tpu.memref_slice %arg7[%dma_wait3A_17] : memref<10112xi32, #tpu.memory_space<vmem>> -> memref<384xi32, #tpu.memory_space<vmem>>
    %dma_wait3A_19 = arith.constant 0 : i32
    %dma_wait3A_20 = arith.constant 0 : i32
    %dma_wait3A_21 = tpu.memref_slice %arg2[%dma_wait3A_19, %dma_wait3A_20] : memref<10112x64xf32, #tpu.memory_space<hbm>> -> memref<10112x64xf32, #tpu.memory_space<hbm>>
    tpu.wait_indirect_dma semaphore(%arg11 : memref<!tpu.dma_semaphore, #tpu.memory_space<semaphore_mem>>) src(%dma_wait3A_21 : memref<10112x64xf32, #tpu.memory_space<hbm>>) dst(%dma_wait3A_16 : memref<384x64xf32, #tpu.memory_space<vmem>>)
    "tpu.region"() ({
      %run_scoped3A = tpu.sem_alloc : memref<!tpu.dma_semaphore, #tpu.memory_space<semaphore_mem>>
      %dma_start3A_26 = arith.constant 0 : i32
      %dma_start3A_27 = arith.constant 0 : i32
      %dma_start3A_28 = tpu.memref_slice %arg9[%dma_start3A_26, %dma_start3A_27] : memref<512x64xf32, #tpu.memory_space<vmem>> -> memref<384x64xf32, #tpu.memory_space<vmem>>
      %dma_start3A_29 = arith.constant 9728 : i32
      %dma_start3A_30 = tpu.memref_slice %arg8[%dma_start3A_29] : memref<10112xi32, #tpu.memory_space<vmem>> -> memref<384xi32, #tpu.memory_space<vmem>>
      %dma_start3A_31 = arith.constant 0 : i32
      %dma_start3A_32 = arith.constant 0 : i32
      %dma_start3A_33 = tpu.memref_slice %arg10[%dma_start3A_31, %dma_start3A_32] : memref<10112x64xf32, #tpu.memory_space<vmem_shared>> -> memref<10112x64xf32, #tpu.memory_space<vmem_shared>>
      tpu.enqueue_indirect_dma source(%dma_start3A_28 : memref<384x64xf32, #tpu.memory_space<vmem>>) target(%dma_start3A_33 : memref<10112x64xf32, #tpu.memory_space<vmem_shared>>) offsets(%dma_start3A_30 : memref<384xi32, #tpu.memory_space<vmem>>) semaphore(%run_scoped3A : memref<!tpu.dma_semaphore, #tpu.memory_space<semaphore_mem>>) {add = true}
      %dma_wait3A_34 = arith.constant 0 : i32
      %dma_wait3A_35 = arith.constant 0 : i32
      %dma_wait3A_36 = tpu.memref_slice %arg9[%dma_wait3A_34, %dma_wait3A_35] : memref<512x64xf32, #tpu.memory_space<vmem>> -> memref<384x64xf32, #tpu.memory_space<vmem>>
      %dma_wait3A_37 = arith.constant 9728 : i32
      %dma_wait3A_38 = tpu.memref_slice %arg8[%dma_wait3A_37] : memref<10112xi32, #tpu.memory_space<vmem>> -> memref<384xi32, #tpu.memory_space<vmem>>
      %dma_wait3A_39 = arith.constant 0 : i32
      %dma_wait3A_40 = arith.constant 0 : i32
      %dma_wait3A_41 = tpu.memref_slice %arg10[%dma_wait3A_39, %dma_wait3A_40] : memref<10112x64xf32, #tpu.memory_space<vmem_shared>> -> memref<10112x64xf32, #tpu.memory_space<vmem_shared>>
      tpu.wait_indirect_dma semaphore(%run_scoped3A : memref<!tpu.dma_semaphore, #tpu.memory_space<semaphore_mem>>) src(%dma_wait3A_36 : memref<384x64xf32, #tpu.memory_space<vmem>>) dst(%dma_wait3A_41 : memref<10112x64xf32, #tpu.memory_space<vmem_shared>>)
      tpu.yield
    }) : () -> ()
    %barrier3A_22 = arith.constant 0 : index
    tpu.barrier barrier_id(%barrier3A_22)
    %mul3A_23 = arith.constant 10112 : i32
    %mul3A_24 = arith.muli %arg0, %mul3A_23 : i32
    %add3A_25 = arith.addi %mul3A_24, %mul3A_2 : i32
    "tpu.region"() ({
      %run_scoped3A = tpu.sem_alloc : memref<!tpu.dma_semaphore, #tpu.memory_space<semaphore_mem>>
      %dma_start3A_26 = arith.constant 0 : i32
      %dma_start3A_27 = tpu.memref_slice %arg6[%add3A_25, %dma_start3A_26] : memref<20224x64xf32, #tpu.memory_space<hbm>> -> memref<632x64xf32, #tpu.memory_space<hbm>>
      %dma_start3A_28 = arith.constant 0 : i32
      %dma_start3A_29 = tpu.memref_slice %arg10[%mul3A_2, %dma_start3A_28] : memref<10112x64xf32, #tpu.memory_space<vmem_shared>> -> memref<632x64xf32, #tpu.memory_space<vmem_shared>>
      tpu.enqueue_dma source(%dma_start3A_29 : memref<632x64xf32, #tpu.memory_space<vmem_shared>>) target(%dma_start3A_27 : memref<632x64xf32, #tpu.memory_space<hbm>>) target_semaphore(%run_scoped3A : memref<!tpu.dma_semaphore, #tpu.memory_space<semaphore_mem>>)
      %dma_wait3A_30 = arith.constant 0 : i32
      %dma_wait3A_31 = tpu.memref_slice %arg6[%add3A_25, %dma_wait3A_30] : memref<20224x64xf32, #tpu.memory_space<hbm>> -> memref<632x64xf32, #tpu.memory_space<hbm>>
      %dma_wait3A_32 = arith.constant 0 : i32
      %dma_wait3A_33 = tpu.memref_slice %arg10[%mul3A_2, %dma_wait3A_32] : memref<10112x64xf32, #tpu.memory_space<vmem_shared>> -> memref<632x64xf32, #tpu.memory_space<vmem_shared>>
      tpu.wait_dma2 semaphore(%run_scoped3A : memref<!tpu.dma_semaphore, #tpu.memory_space<semaphore_mem>>) src(%dma_wait3A_33 : memref<632x64xf32, #tpu.memory_space<vmem_shared>>) dst(%dma_wait3A_31 : memref<632x64xf32, #tpu.memory_space<hbm>>)
      tpu.yield
    }) : () -> ()
    return
  }
}

#map = affine_map<(d0, d1) -> (0, 0)>
module attributes {stable_mosaic.version = 14 : i64} {
  func.func @seg_kernel(%arg0: i32, %arg1: i32, %arg2: memref<10112x32xf32, #tpu.memory_space<hbm>>, %arg3: memref<32x10112xi32, #tpu.memory_space<hbm>>, %arg4: memref<32x10112xi32, #tpu.memory_space<hbm>>, %arg5: memref<10112x32xf32, #tpu.memory_space<hbm>>, %arg6: memref<20224x32xf32, #tpu.memory_space<hbm>>, %arg7: memref<10112xi32, #tpu.memory_space<vmem>>, %arg8: memref<10112xi32, #tpu.memory_space<vmem>>, %arg9: memref<1024x32xf32, #tpu.memory_space<vmem>>, %arg10: memref<10112x32xf32, #tpu.memory_space<vmem_shared>>, %arg11: memref<!tpu.dma_semaphore, #tpu.memory_space<semaphore_mem>>) attributes {dimension_semantics = [#tpu.dimension_semantics<core_parallel>, #tpu.dimension_semantics<subcore_parallel>], iteration_bounds = array<i64: 2, 16>, scalar_prefetch = 0 : i64, scratch_operands = 5 : i64, tpu.core_type = #tpu.core_type<sc_vector_subcore>, window_params = [{transform_indices = #map}, {transform_indices = #map}, {transform_indices = #map}, {transform_indices = #map}, {transform_indices = #map}]} {
    %mul3A = arith.constant 16 : i32
    %mul3A_0 = arith.muli %arg0, %mul3A : i32
    %add3A = arith.addi %mul3A_0, %arg1 : i32
    %mul3A_1 = arith.constant 632 : i32
    %mul3A_2 = arith.muli %arg1, %mul3A_1 : i32
    "tpu.region"() ({
      %run_scoped3A = tpu.sem_alloc : memref<!tpu.dma_semaphore, #tpu.memory_space<semaphore_mem>>
      %dma_start3A_26 = arith.constant 0 : i32
      %dma_start3A_27 = tpu.memref_slice %arg3[%add3A, %dma_start3A_26] : memref<32x10112xi32, #tpu.memory_space<hbm>> -> memref<1x10112xi32, #tpu.memory_space<hbm>>
      %dma_start3A_28 = tpu.memref_squeeze %dma_start3A_27 : memref<1x10112xi32, #tpu.memory_space<hbm>> -> memref<10112xi32, #tpu.memory_space<hbm>>
      %dma_start3A_29 = arith.constant 0 : i32
      %dma_start3A_30 = tpu.memref_slice %arg3[%add3A, %dma_start3A_29] : memref<32x10112xi32, #tpu.memory_space<hbm>> -> memref<1x10112xi32, #tpu.memory_space<hbm>>
      %dma_start3A_31 = tpu.memref_squeeze %dma_start3A_30 : memref<1x10112xi32, #tpu.memory_space<hbm>> -> memref<10112xi32, #tpu.memory_space<hbm>>
      tpu.enqueue_dma source(%dma_start3A_31 : memref<10112xi32, #tpu.memory_space<hbm>>) target(%arg7 : memref<10112xi32, #tpu.memory_space<vmem>>) target_semaphore(%run_scoped3A : memref<!tpu.dma_semaphore, #tpu.memory_space<semaphore_mem>>)
      %dma_wait3A_32 = arith.constant 0 : i32
      %dma_wait3A_33 = tpu.memref_slice %arg3[%add3A, %dma_wait3A_32] : memref<32x10112xi32, #tpu.memory_space<hbm>> -> memref<1x10112xi32, #tpu.memory_space<hbm>>
      %dma_wait3A_34 = tpu.memref_squeeze %dma_wait3A_33 : memref<1x10112xi32, #tpu.memory_space<hbm>> -> memref<10112xi32, #tpu.memory_space<hbm>>
      %dma_wait3A_35 = arith.constant 0 : i32
      %dma_wait3A_36 = tpu.memref_slice %arg3[%add3A, %dma_wait3A_35] : memref<32x10112xi32, #tpu.memory_space<hbm>> -> memref<1x10112xi32, #tpu.memory_space<hbm>>
      %dma_wait3A_37 = tpu.memref_squeeze %dma_wait3A_36 : memref<1x10112xi32, #tpu.memory_space<hbm>> -> memref<10112xi32, #tpu.memory_space<hbm>>
      tpu.wait_dma2 semaphore(%run_scoped3A : memref<!tpu.dma_semaphore, #tpu.memory_space<semaphore_mem>>) src(%dma_wait3A_37 : memref<10112xi32, #tpu.memory_space<hbm>>) dst(%arg7 : memref<10112xi32, #tpu.memory_space<vmem>>)
      tpu.yield
    }) : () -> ()
    "tpu.region"() ({
      %run_scoped3A = tpu.sem_alloc : memref<!tpu.dma_semaphore, #tpu.memory_space<semaphore_mem>>
      %dma_start3A_26 = arith.constant 0 : i32
      %dma_start3A_27 = tpu.memref_slice %arg4[%add3A, %dma_start3A_26] : memref<32x10112xi32, #tpu.memory_space<hbm>> -> memref<1x10112xi32, #tpu.memory_space<hbm>>
      %dma_start3A_28 = tpu.memref_squeeze %dma_start3A_27 : memref<1x10112xi32, #tpu.memory_space<hbm>> -> memref<10112xi32, #tpu.memory_space<hbm>>
      %dma_start3A_29 = arith.constant 0 : i32
      %dma_start3A_30 = tpu.memref_slice %arg4[%add3A, %dma_start3A_29] : memref<32x10112xi32, #tpu.memory_space<hbm>> -> memref<1x10112xi32, #tpu.memory_space<hbm>>
      %dma_start3A_31 = tpu.memref_squeeze %dma_start3A_30 : memref<1x10112xi32, #tpu.memory_space<hbm>> -> memref<10112xi32, #tpu.memory_space<hbm>>
      tpu.enqueue_dma source(%dma_start3A_31 : memref<10112xi32, #tpu.memory_space<hbm>>) target(%arg8 : memref<10112xi32, #tpu.memory_space<vmem>>) target_semaphore(%run_scoped3A : memref<!tpu.dma_semaphore, #tpu.memory_space<semaphore_mem>>)
      %dma_wait3A_32 = arith.constant 0 : i32
      %dma_wait3A_33 = tpu.memref_slice %arg4[%add3A, %dma_wait3A_32] : memref<32x10112xi32, #tpu.memory_space<hbm>> -> memref<1x10112xi32, #tpu.memory_space<hbm>>
      %dma_wait3A_34 = tpu.memref_squeeze %dma_wait3A_33 : memref<1x10112xi32, #tpu.memory_space<hbm>> -> memref<10112xi32, #tpu.memory_space<hbm>>
      %dma_wait3A_35 = arith.constant 0 : i32
      %dma_wait3A_36 = tpu.memref_slice %arg4[%add3A, %dma_wait3A_35] : memref<32x10112xi32, #tpu.memory_space<hbm>> -> memref<1x10112xi32, #tpu.memory_space<hbm>>
      %dma_wait3A_37 = tpu.memref_squeeze %dma_wait3A_36 : memref<1x10112xi32, #tpu.memory_space<hbm>> -> memref<10112xi32, #tpu.memory_space<hbm>>
      tpu.wait_dma2 semaphore(%run_scoped3A : memref<!tpu.dma_semaphore, #tpu.memory_space<semaphore_mem>>) src(%dma_wait3A_37 : memref<10112xi32, #tpu.memory_space<hbm>>) dst(%arg8 : memref<10112xi32, #tpu.memory_space<vmem>>)
      tpu.yield
    }) : () -> ()
    "tpu.region"() ({
      %run_scoped3A = tpu.sem_alloc : memref<!tpu.dma_semaphore, #tpu.memory_space<semaphore_mem>>
      %dma_start3A_26 = arith.constant 0 : i32
      %dma_start3A_27 = tpu.memref_slice %arg10[%mul3A_2, %dma_start3A_26] : memref<10112x32xf32, #tpu.memory_space<vmem_shared>> -> memref<632x32xf32, #tpu.memory_space<vmem_shared>>
      %dma_start3A_28 = arith.constant 0 : i32
      %dma_start3A_29 = tpu.memref_slice %arg5[%mul3A_2, %dma_start3A_28] : memref<10112x32xf32, #tpu.memory_space<hbm>> -> memref<632x32xf32, #tpu.memory_space<hbm>>
      tpu.enqueue_dma source(%dma_start3A_29 : memref<632x32xf32, #tpu.memory_space<hbm>>) target(%dma_start3A_27 : memref<632x32xf32, #tpu.memory_space<vmem_shared>>) target_semaphore(%run_scoped3A : memref<!tpu.dma_semaphore, #tpu.memory_space<semaphore_mem>>)
      %dma_wait3A_30 = arith.constant 0 : i32
      %dma_wait3A_31 = tpu.memref_slice %arg10[%mul3A_2, %dma_wait3A_30] : memref<10112x32xf32, #tpu.memory_space<vmem_shared>> -> memref<632x32xf32, #tpu.memory_space<vmem_shared>>
      %dma_wait3A_32 = arith.constant 0 : i32
      %dma_wait3A_33 = tpu.memref_slice %arg5[%mul3A_2, %dma_wait3A_32] : memref<10112x32xf32, #tpu.memory_space<hbm>> -> memref<632x32xf32, #tpu.memory_space<hbm>>
      tpu.wait_dma2 semaphore(%run_scoped3A : memref<!tpu.dma_semaphore, #tpu.memory_space<semaphore_mem>>) src(%dma_wait3A_33 : memref<632x32xf32, #tpu.memory_space<hbm>>) dst(%dma_wait3A_31 : memref<632x32xf32, #tpu.memory_space<vmem_shared>>)
      tpu.yield
    }) : () -> ()
    %barrier3A = arith.constant 0 : index
    tpu.barrier barrier_id(%barrier3A)
    %scan3A = arith.constant 0 : i32
    %scan3A_3 = arith.constant 0 : i32
    %scan3A_4 = arith.constant 9 : i32
    %scan3A_5 = arith.addi %scan3A_3, %scan3A_4 : i32
    %scan3A_6 = arith.constant 1 : i32
    scf.for %scan3A_26 = %scan3A_3 to %scan3A_5 step %scan3A_6  : i32 {
      %mul3A_27 = arith.constant 1024 : i32
      %mul3A_28 = arith.muli %scan3A_26, %mul3A_27 : i32
      %dma_start3A_29 = tpu.memref_slice %arg7[%mul3A_28] : memref<10112xi32, #tpu.memory_space<vmem>> -> memref<1024xi32, #tpu.memory_space<vmem>>
      %dma_start3A_30 = arith.constant 0 : i32
      %dma_start3A_31 = arith.constant 0 : i32
      %dma_start3A_32 = tpu.memref_slice %arg2[%dma_start3A_30, %dma_start3A_31] : memref<10112x32xf32, #tpu.memory_space<hbm>> -> memref<10112x32xf32, #tpu.memory_space<hbm>>
      tpu.enqueue_indirect_dma source(%dma_start3A_32 : memref<10112x32xf32, #tpu.memory_space<hbm>>) target(%arg9 : memref<1024x32xf32, #tpu.memory_space<vmem>>) offsets(%dma_start3A_29 : memref<1024xi32, #tpu.memory_space<vmem>>) semaphore(%arg11 : memref<!tpu.dma_semaphore, #tpu.memory_space<semaphore_mem>>)
      %dma_wait3A_33 = tpu.memref_slice %arg7[%mul3A_28] : memref<10112xi32, #tpu.memory_space<vmem>> -> memref<1024xi32, #tpu.memory_space<vmem>>
      %dma_wait3A_34 = arith.constant 0 : i32
      %dma_wait3A_35 = arith.constant 0 : i32
      %dma_wait3A_36 = tpu.memref_slice %arg2[%dma_wait3A_34, %dma_wait3A_35] : memref<10112x32xf32, #tpu.memory_space<hbm>> -> memref<10112x32xf32, #tpu.memory_space<hbm>>
      tpu.wait_indirect_dma semaphore(%arg11 : memref<!tpu.dma_semaphore, #tpu.memory_space<semaphore_mem>>) src(%dma_wait3A_36 : memref<10112x32xf32, #tpu.memory_space<hbm>>) dst(%arg9 : memref<1024x32xf32, #tpu.memory_space<vmem>>)
      %mul3A_37 = arith.constant 1024 : i32
      %mul3A_38 = arith.muli %scan3A_26, %mul3A_37 : i32
      "tpu.region"() ({
        %run_scoped3A = tpu.sem_alloc : memref<!tpu.dma_semaphore, #tpu.memory_space<semaphore_mem>>
        %dma_start3A_39 = tpu.memref_slice %arg8[%mul3A_38] : memref<10112xi32, #tpu.memory_space<vmem>> -> memref<1024xi32, #tpu.memory_space<vmem>>
        %dma_start3A_40 = arith.constant 0 : i32
        %dma_start3A_41 = arith.constant 0 : i32
        %dma_start3A_42 = tpu.memref_slice %arg10[%dma_start3A_40, %dma_start3A_41] : memref<10112x32xf32, #tpu.memory_space<vmem_shared>> -> memref<10112x32xf32, #tpu.memory_space<vmem_shared>>
        tpu.enqueue_indirect_dma source(%arg9 : memref<1024x32xf32, #tpu.memory_space<vmem>>) target(%dma_start3A_42 : memref<10112x32xf32, #tpu.memory_space<vmem_shared>>) offsets(%dma_start3A_39 : memref<1024xi32, #tpu.memory_space<vmem>>) semaphore(%run_scoped3A : memref<!tpu.dma_semaphore, #tpu.memory_space<semaphore_mem>>) {add = true}
        %dma_wait3A_43 = tpu.memref_slice %arg8[%mul3A_38] : memref<10112xi32, #tpu.memory_space<vmem>> -> memref<1024xi32, #tpu.memory_space<vmem>>
        %dma_wait3A_44 = arith.constant 0 : i32
        %dma_wait3A_45 = arith.constant 0 : i32
        %dma_wait3A_46 = tpu.memref_slice %arg10[%dma_wait3A_44, %dma_wait3A_45] : memref<10112x32xf32, #tpu.memory_space<vmem_shared>> -> memref<10112x32xf32, #tpu.memory_space<vmem_shared>>
        tpu.wait_indirect_dma semaphore(%run_scoped3A : memref<!tpu.dma_semaphore, #tpu.memory_space<semaphore_mem>>) src(%arg9 : memref<1024x32xf32, #tpu.memory_space<vmem>>) dst(%dma_wait3A_46 : memref<10112x32xf32, #tpu.memory_space<vmem_shared>>)
        tpu.yield
      }) : () -> ()
    }
    %scan3A_7 = arith.constant 9 : i32
    %dma_start3A = arith.constant 0 : i32
    %dma_start3A_8 = arith.constant 0 : i32
    %dma_start3A_9 = tpu.memref_slice %arg9[%dma_start3A, %dma_start3A_8] : memref<1024x32xf32, #tpu.memory_space<vmem>> -> memref<896x32xf32, #tpu.memory_space<vmem>>
    %dma_start3A_10 = arith.constant 9216 : i32
    %dma_start3A_11 = tpu.memref_slice %arg7[%dma_start3A_10] : memref<10112xi32, #tpu.memory_space<vmem>> -> memref<896xi32, #tpu.memory_space<vmem>>
    %dma_start3A_12 = arith.constant 0 : i32
    %dma_start3A_13 = arith.constant 0 : i32
    %dma_start3A_14 = tpu.memref_slice %arg2[%dma_start3A_12, %dma_start3A_13] : memref<10112x32xf32, #tpu.memory_space<hbm>> -> memref<10112x32xf32, #tpu.memory_space<hbm>>
    tpu.enqueue_indirect_dma source(%dma_start3A_14 : memref<10112x32xf32, #tpu.memory_space<hbm>>) target(%dma_start3A_9 : memref<896x32xf32, #tpu.memory_space<vmem>>) offsets(%dma_start3A_11 : memref<896xi32, #tpu.memory_space<vmem>>) semaphore(%arg11 : memref<!tpu.dma_semaphore, #tpu.memory_space<semaphore_mem>>)
    %dma_wait3A = arith.constant 0 : i32
    %dma_wait3A_15 = arith.constant 0 : i32
    %dma_wait3A_16 = tpu.memref_slice %arg9[%dma_wait3A, %dma_wait3A_15] : memref<1024x32xf32, #tpu.memory_space<vmem>> -> memref<896x32xf32, #tpu.memory_space<vmem>>
    %dma_wait3A_17 = arith.constant 9216 : i32
    %dma_wait3A_18 = tpu.memref_slice %arg7[%dma_wait3A_17] : memref<10112xi32, #tpu.memory_space<vmem>> -> memref<896xi32, #tpu.memory_space<vmem>>
    %dma_wait3A_19 = arith.constant 0 : i32
    %dma_wait3A_20 = arith.constant 0 : i32
    %dma_wait3A_21 = tpu.memref_slice %arg2[%dma_wait3A_19, %dma_wait3A_20] : memref<10112x32xf32, #tpu.memory_space<hbm>> -> memref<10112x32xf32, #tpu.memory_space<hbm>>
    tpu.wait_indirect_dma semaphore(%arg11 : memref<!tpu.dma_semaphore, #tpu.memory_space<semaphore_mem>>) src(%dma_wait3A_21 : memref<10112x32xf32, #tpu.memory_space<hbm>>) dst(%dma_wait3A_16 : memref<896x32xf32, #tpu.memory_space<vmem>>)
    "tpu.region"() ({
      %run_scoped3A = tpu.sem_alloc : memref<!tpu.dma_semaphore, #tpu.memory_space<semaphore_mem>>
      %dma_start3A_26 = arith.constant 0 : i32
      %dma_start3A_27 = arith.constant 0 : i32
      %dma_start3A_28 = tpu.memref_slice %arg9[%dma_start3A_26, %dma_start3A_27] : memref<1024x32xf32, #tpu.memory_space<vmem>> -> memref<896x32xf32, #tpu.memory_space<vmem>>
      %dma_start3A_29 = arith.constant 9216 : i32
      %dma_start3A_30 = tpu.memref_slice %arg8[%dma_start3A_29] : memref<10112xi32, #tpu.memory_space<vmem>> -> memref<896xi32, #tpu.memory_space<vmem>>
      %dma_start3A_31 = arith.constant 0 : i32
      %dma_start3A_32 = arith.constant 0 : i32
      %dma_start3A_33 = tpu.memref_slice %arg10[%dma_start3A_31, %dma_start3A_32] : memref<10112x32xf32, #tpu.memory_space<vmem_shared>> -> memref<10112x32xf32, #tpu.memory_space<vmem_shared>>
      tpu.enqueue_indirect_dma source(%dma_start3A_28 : memref<896x32xf32, #tpu.memory_space<vmem>>) target(%dma_start3A_33 : memref<10112x32xf32, #tpu.memory_space<vmem_shared>>) offsets(%dma_start3A_30 : memref<896xi32, #tpu.memory_space<vmem>>) semaphore(%run_scoped3A : memref<!tpu.dma_semaphore, #tpu.memory_space<semaphore_mem>>) {add = true}
      %dma_wait3A_34 = arith.constant 0 : i32
      %dma_wait3A_35 = arith.constant 0 : i32
      %dma_wait3A_36 = tpu.memref_slice %arg9[%dma_wait3A_34, %dma_wait3A_35] : memref<1024x32xf32, #tpu.memory_space<vmem>> -> memref<896x32xf32, #tpu.memory_space<vmem>>
      %dma_wait3A_37 = arith.constant 9216 : i32
      %dma_wait3A_38 = tpu.memref_slice %arg8[%dma_wait3A_37] : memref<10112xi32, #tpu.memory_space<vmem>> -> memref<896xi32, #tpu.memory_space<vmem>>
      %dma_wait3A_39 = arith.constant 0 : i32
      %dma_wait3A_40 = arith.constant 0 : i32
      %dma_wait3A_41 = tpu.memref_slice %arg10[%dma_wait3A_39, %dma_wait3A_40] : memref<10112x32xf32, #tpu.memory_space<vmem_shared>> -> memref<10112x32xf32, #tpu.memory_space<vmem_shared>>
      tpu.wait_indirect_dma semaphore(%run_scoped3A : memref<!tpu.dma_semaphore, #tpu.memory_space<semaphore_mem>>) src(%dma_wait3A_36 : memref<896x32xf32, #tpu.memory_space<vmem>>) dst(%dma_wait3A_41 : memref<10112x32xf32, #tpu.memory_space<vmem_shared>>)
      tpu.yield
    }) : () -> ()
    %barrier3A_22 = arith.constant 0 : index
    tpu.barrier barrier_id(%barrier3A_22)
    %mul3A_23 = arith.constant 10112 : i32
    %mul3A_24 = arith.muli %arg0, %mul3A_23 : i32
    %add3A_25 = arith.addi %mul3A_24, %mul3A_2 : i32
    "tpu.region"() ({
      %run_scoped3A = tpu.sem_alloc : memref<!tpu.dma_semaphore, #tpu.memory_space<semaphore_mem>>
      %dma_start3A_26 = arith.constant 0 : i32
      %dma_start3A_27 = tpu.memref_slice %arg6[%add3A_25, %dma_start3A_26] : memref<20224x32xf32, #tpu.memory_space<hbm>> -> memref<632x32xf32, #tpu.memory_space<hbm>>
      %dma_start3A_28 = arith.constant 0 : i32
      %dma_start3A_29 = tpu.memref_slice %arg10[%mul3A_2, %dma_start3A_28] : memref<10112x32xf32, #tpu.memory_space<vmem_shared>> -> memref<632x32xf32, #tpu.memory_space<vmem_shared>>
      tpu.enqueue_dma source(%dma_start3A_29 : memref<632x32xf32, #tpu.memory_space<vmem_shared>>) target(%dma_start3A_27 : memref<632x32xf32, #tpu.memory_space<hbm>>) target_semaphore(%run_scoped3A : memref<!tpu.dma_semaphore, #tpu.memory_space<semaphore_mem>>)
      %dma_wait3A_30 = arith.constant 0 : i32
      %dma_wait3A_31 = tpu.memref_slice %arg6[%add3A_25, %dma_wait3A_30] : memref<20224x32xf32, #tpu.memory_space<hbm>> -> memref<632x32xf32, #tpu.memory_space<hbm>>
      %dma_wait3A_32 = arith.constant 0 : i32
      %dma_wait3A_33 = tpu.memref_slice %arg10[%mul3A_2, %dma_wait3A_32] : memref<10112x32xf32, #tpu.memory_space<vmem_shared>> -> memref<632x32xf32, #tpu.memory_space<vmem_shared>>
      tpu.wait_dma2 semaphore(%run_scoped3A : memref<!tpu.dma_semaphore, #tpu.memory_space<semaphore_mem>>) src(%dma_wait3A_33 : memref<632x32xf32, #tpu.memory_space<vmem_shared>>) dst(%dma_wait3A_31 : memref<632x32xf32, #tpu.memory_space<hbm>>)
      tpu.yield
    }) : () -> ()
    return
  }
}

#map = affine_map<(d0, d1) -> (0, 0)>
module attributes {stable_mosaic.version = 14 : i64} {
  func.func @seg_kernel(%arg0: i32, %arg1: i32, %arg2: memref<10112x144xf32, #tpu.memory_space<hbm>>, %arg3: memref<32x10112xi32, #tpu.memory_space<hbm>>, %arg4: memref<32x10112xi32, #tpu.memory_space<hbm>>, %arg5: memref<10112x144xf32, #tpu.memory_space<hbm>>, %arg6: memref<20224x144xf32, #tpu.memory_space<hbm>>, %arg7: memref<10112xi32, #tpu.memory_space<vmem>>, %arg8: memref<10112xi32, #tpu.memory_space<vmem>>, %arg9: memref<128x144xf32, #tpu.memory_space<vmem>>, %arg10: memref<10112x144xf32, #tpu.memory_space<vmem_shared>>, %arg11: memref<!tpu.dma_semaphore, #tpu.memory_space<semaphore_mem>>) attributes {dimension_semantics = [#tpu.dimension_semantics<core_parallel>, #tpu.dimension_semantics<subcore_parallel>], iteration_bounds = array<i64: 2, 16>, scalar_prefetch = 0 : i64, scratch_operands = 5 : i64, tpu.core_type = #tpu.core_type<sc_vector_subcore>, window_params = [{transform_indices = #map}, {transform_indices = #map}, {transform_indices = #map}, {transform_indices = #map}, {transform_indices = #map}]} {
    %mul3A = arith.constant 16 : i32
    %mul3A_0 = arith.muli %arg0, %mul3A : i32
    %add3A = arith.addi %mul3A_0, %arg1 : i32
    %mul3A_1 = arith.constant 632 : i32
    %mul3A_2 = arith.muli %arg1, %mul3A_1 : i32
    "tpu.region"() ({
      %run_scoped3A = tpu.sem_alloc : memref<!tpu.dma_semaphore, #tpu.memory_space<semaphore_mem>>
      %dma_start3A = arith.constant 0 : i32
      %dma_start3A_12 = tpu.memref_slice %arg3[%add3A, %dma_start3A] : memref<32x10112xi32, #tpu.memory_space<hbm>> -> memref<1x10112xi32, #tpu.memory_space<hbm>>
      %dma_start3A_13 = tpu.memref_squeeze %dma_start3A_12 : memref<1x10112xi32, #tpu.memory_space<hbm>> -> memref<10112xi32, #tpu.memory_space<hbm>>
      %dma_start3A_14 = arith.constant 0 : i32
      %dma_start3A_15 = tpu.memref_slice %arg3[%add3A, %dma_start3A_14] : memref<32x10112xi32, #tpu.memory_space<hbm>> -> memref<1x10112xi32, #tpu.memory_space<hbm>>
      %dma_start3A_16 = tpu.memref_squeeze %dma_start3A_15 : memref<1x10112xi32, #tpu.memory_space<hbm>> -> memref<10112xi32, #tpu.memory_space<hbm>>
      tpu.enqueue_dma source(%dma_start3A_16 : memref<10112xi32, #tpu.memory_space<hbm>>) target(%arg7 : memref<10112xi32, #tpu.memory_space<vmem>>) target_semaphore(%run_scoped3A : memref<!tpu.dma_semaphore, #tpu.memory_space<semaphore_mem>>)
      %dma_wait3A = arith.constant 0 : i32
      %dma_wait3A_17 = tpu.memref_slice %arg3[%add3A, %dma_wait3A] : memref<32x10112xi32, #tpu.memory_space<hbm>> -> memref<1x10112xi32, #tpu.memory_space<hbm>>
      %dma_wait3A_18 = tpu.memref_squeeze %dma_wait3A_17 : memref<1x10112xi32, #tpu.memory_space<hbm>> -> memref<10112xi32, #tpu.memory_space<hbm>>
      %dma_wait3A_19 = arith.constant 0 : i32
      %dma_wait3A_20 = tpu.memref_slice %arg3[%add3A, %dma_wait3A_19] : memref<32x10112xi32, #tpu.memory_space<hbm>> -> memref<1x10112xi32, #tpu.memory_space<hbm>>
      %dma_wait3A_21 = tpu.memref_squeeze %dma_wait3A_20 : memref<1x10112xi32, #tpu.memory_space<hbm>> -> memref<10112xi32, #tpu.memory_space<hbm>>
      tpu.wait_dma2 semaphore(%run_scoped3A : memref<!tpu.dma_semaphore, #tpu.memory_space<semaphore_mem>>) src(%dma_wait3A_21 : memref<10112xi32, #tpu.memory_space<hbm>>) dst(%arg7 : memref<10112xi32, #tpu.memory_space<vmem>>)
      tpu.yield
    }) : () -> ()
    "tpu.region"() ({
      %run_scoped3A = tpu.sem_alloc : memref<!tpu.dma_semaphore, #tpu.memory_space<semaphore_mem>>
      %dma_start3A = arith.constant 0 : i32
      %dma_start3A_12 = tpu.memref_slice %arg4[%add3A, %dma_start3A] : memref<32x10112xi32, #tpu.memory_space<hbm>> -> memref<1x10112xi32, #tpu.memory_space<hbm>>
      %dma_start3A_13 = tpu.memref_squeeze %dma_start3A_12 : memref<1x10112xi32, #tpu.memory_space<hbm>> -> memref<10112xi32, #tpu.memory_space<hbm>>
      %dma_start3A_14 = arith.constant 0 : i32
      %dma_start3A_15 = tpu.memref_slice %arg4[%add3A, %dma_start3A_14] : memref<32x10112xi32, #tpu.memory_space<hbm>> -> memref<1x10112xi32, #tpu.memory_space<hbm>>
      %dma_start3A_16 = tpu.memref_squeeze %dma_start3A_15 : memref<1x10112xi32, #tpu.memory_space<hbm>> -> memref<10112xi32, #tpu.memory_space<hbm>>
      tpu.enqueue_dma source(%dma_start3A_16 : memref<10112xi32, #tpu.memory_space<hbm>>) target(%arg8 : memref<10112xi32, #tpu.memory_space<vmem>>) target_semaphore(%run_scoped3A : memref<!tpu.dma_semaphore, #tpu.memory_space<semaphore_mem>>)
      %dma_wait3A = arith.constant 0 : i32
      %dma_wait3A_17 = tpu.memref_slice %arg4[%add3A, %dma_wait3A] : memref<32x10112xi32, #tpu.memory_space<hbm>> -> memref<1x10112xi32, #tpu.memory_space<hbm>>
      %dma_wait3A_18 = tpu.memref_squeeze %dma_wait3A_17 : memref<1x10112xi32, #tpu.memory_space<hbm>> -> memref<10112xi32, #tpu.memory_space<hbm>>
      %dma_wait3A_19 = arith.constant 0 : i32
      %dma_wait3A_20 = tpu.memref_slice %arg4[%add3A, %dma_wait3A_19] : memref<32x10112xi32, #tpu.memory_space<hbm>> -> memref<1x10112xi32, #tpu.memory_space<hbm>>
      %dma_wait3A_21 = tpu.memref_squeeze %dma_wait3A_20 : memref<1x10112xi32, #tpu.memory_space<hbm>> -> memref<10112xi32, #tpu.memory_space<hbm>>
      tpu.wait_dma2 semaphore(%run_scoped3A : memref<!tpu.dma_semaphore, #tpu.memory_space<semaphore_mem>>) src(%dma_wait3A_21 : memref<10112xi32, #tpu.memory_space<hbm>>) dst(%arg8 : memref<10112xi32, #tpu.memory_space<vmem>>)
      tpu.yield
    }) : () -> ()
    "tpu.region"() ({
      %run_scoped3A = tpu.sem_alloc : memref<!tpu.dma_semaphore, #tpu.memory_space<semaphore_mem>>
      %dma_start3A = arith.constant 0 : i32
      %dma_start3A_12 = tpu.memref_slice %arg10[%mul3A_2, %dma_start3A] : memref<10112x144xf32, #tpu.memory_space<vmem_shared>> -> memref<632x144xf32, #tpu.memory_space<vmem_shared>>
      %dma_start3A_13 = arith.constant 0 : i32
      %dma_start3A_14 = tpu.memref_slice %arg5[%mul3A_2, %dma_start3A_13] : memref<10112x144xf32, #tpu.memory_space<hbm>> -> memref<632x144xf32, #tpu.memory_space<hbm>>
      tpu.enqueue_dma source(%dma_start3A_14 : memref<632x144xf32, #tpu.memory_space<hbm>>) target(%dma_start3A_12 : memref<632x144xf32, #tpu.memory_space<vmem_shared>>) target_semaphore(%run_scoped3A : memref<!tpu.dma_semaphore, #tpu.memory_space<semaphore_mem>>)
      %dma_wait3A = arith.constant 0 : i32
      %dma_wait3A_15 = tpu.memref_slice %arg10[%mul3A_2, %dma_wait3A] : memref<10112x144xf32, #tpu.memory_space<vmem_shared>> -> memref<632x144xf32, #tpu.memory_space<vmem_shared>>
      %dma_wait3A_16 = arith.constant 0 : i32
      %dma_wait3A_17 = tpu.memref_slice %arg5[%mul3A_2, %dma_wait3A_16] : memref<10112x144xf32, #tpu.memory_space<hbm>> -> memref<632x144xf32, #tpu.memory_space<hbm>>
      tpu.wait_dma2 semaphore(%run_scoped3A : memref<!tpu.dma_semaphore, #tpu.memory_space<semaphore_mem>>) src(%dma_wait3A_17 : memref<632x144xf32, #tpu.memory_space<hbm>>) dst(%dma_wait3A_15 : memref<632x144xf32, #tpu.memory_space<vmem_shared>>)
      tpu.yield
    }) : () -> ()
    %barrier3A = arith.constant 0 : index
    tpu.barrier barrier_id(%barrier3A)
    %scan3A = arith.constant 0 : i32
    %scan3A_3 = arith.constant 0 : i32
    %scan3A_4 = arith.constant 79 : i32
    %scan3A_5 = arith.addi %scan3A_3, %scan3A_4 : i32
    %scan3A_6 = arith.constant 1 : i32
    scf.for %scan3A_12 = %scan3A_3 to %scan3A_5 step %scan3A_6  : i32 {
      %mul3A_13 = arith.constant 128 : i32
      %mul3A_14 = arith.muli %scan3A_12, %mul3A_13 : i32
      %dma_start3A = tpu.memref_slice %arg7[%mul3A_14] : memref<10112xi32, #tpu.memory_space<vmem>> -> memref<128xi32, #tpu.memory_space<vmem>>
      %dma_start3A_15 = arith.constant 0 : i32
      %dma_start3A_16 = arith.constant 0 : i32
      %dma_start3A_17 = tpu.memref_slice %arg2[%dma_start3A_15, %dma_start3A_16] : memref<10112x144xf32, #tpu.memory_space<hbm>> -> memref<10112x144xf32, #tpu.memory_space<hbm>>
      tpu.enqueue_indirect_dma source(%dma_start3A_17 : memref<10112x144xf32, #tpu.memory_space<hbm>>) target(%arg9 : memref<128x144xf32, #tpu.memory_space<vmem>>) offsets(%dma_start3A : memref<128xi32, #tpu.memory_space<vmem>>) semaphore(%arg11 : memref<!tpu.dma_semaphore, #tpu.memory_space<semaphore_mem>>)
      %dma_wait3A = tpu.memref_slice %arg7[%mul3A_14] : memref<10112xi32, #tpu.memory_space<vmem>> -> memref<128xi32, #tpu.memory_space<vmem>>
      %dma_wait3A_18 = arith.constant 0 : i32
      %dma_wait3A_19 = arith.constant 0 : i32
      %dma_wait3A_20 = tpu.memref_slice %arg2[%dma_wait3A_18, %dma_wait3A_19] : memref<10112x144xf32, #tpu.memory_space<hbm>> -> memref<10112x144xf32, #tpu.memory_space<hbm>>
      tpu.wait_indirect_dma semaphore(%arg11 : memref<!tpu.dma_semaphore, #tpu.memory_space<semaphore_mem>>) src(%dma_wait3A_20 : memref<10112x144xf32, #tpu.memory_space<hbm>>) dst(%arg9 : memref<128x144xf32, #tpu.memory_space<vmem>>)
      %mul3A_21 = arith.constant 128 : i32
      %mul3A_22 = arith.muli %scan3A_12, %mul3A_21 : i32
      "tpu.region"() ({
        %run_scoped3A = tpu.sem_alloc : memref<!tpu.dma_semaphore, #tpu.memory_space<semaphore_mem>>
        %dma_start3A_23 = tpu.memref_slice %arg8[%mul3A_22] : memref<10112xi32, #tpu.memory_space<vmem>> -> memref<128xi32, #tpu.memory_space<vmem>>
        %dma_start3A_24 = arith.constant 0 : i32
        %dma_start3A_25 = arith.constant 0 : i32
        %dma_start3A_26 = tpu.memref_slice %arg10[%dma_start3A_24, %dma_start3A_25] : memref<10112x144xf32, #tpu.memory_space<vmem_shared>> -> memref<10112x144xf32, #tpu.memory_space<vmem_shared>>
        tpu.enqueue_indirect_dma source(%arg9 : memref<128x144xf32, #tpu.memory_space<vmem>>) target(%dma_start3A_26 : memref<10112x144xf32, #tpu.memory_space<vmem_shared>>) offsets(%dma_start3A_23 : memref<128xi32, #tpu.memory_space<vmem>>) semaphore(%run_scoped3A : memref<!tpu.dma_semaphore, #tpu.memory_space<semaphore_mem>>) {add = true}
        %dma_wait3A_27 = tpu.memref_slice %arg8[%mul3A_22] : memref<10112xi32, #tpu.memory_space<vmem>> -> memref<128xi32, #tpu.memory_space<vmem>>
        %dma_wait3A_28 = arith.constant 0 : i32
        %dma_wait3A_29 = arith.constant 0 : i32
        %dma_wait3A_30 = tpu.memref_slice %arg10[%dma_wait3A_28, %dma_wait3A_29] : memref<10112x144xf32, #tpu.memory_space<vmem_shared>> -> memref<10112x144xf32, #tpu.memory_space<vmem_shared>>
        tpu.wait_indirect_dma semaphore(%run_scoped3A : memref<!tpu.dma_semaphore, #tpu.memory_space<semaphore_mem>>) src(%arg9 : memref<128x144xf32, #tpu.memory_space<vmem>>) dst(%dma_wait3A_30 : memref<10112x144xf32, #tpu.memory_space<vmem_shared>>)
        tpu.yield
      }) : () -> ()
    }
    %scan3A_7 = arith.constant 79 : i32
    %barrier3A_8 = arith.constant 0 : index
    tpu.barrier barrier_id(%barrier3A_8)
    %mul3A_9 = arith.constant 10112 : i32
    %mul3A_10 = arith.muli %arg0, %mul3A_9 : i32
    %add3A_11 = arith.addi %mul3A_10, %mul3A_2 : i32
    "tpu.region"() ({
      %run_scoped3A = tpu.sem_alloc : memref<!tpu.dma_semaphore, #tpu.memory_space<semaphore_mem>>
      %dma_start3A = arith.constant 0 : i32
      %dma_start3A_12 = tpu.memref_slice %arg6[%add3A_11, %dma_start3A] : memref<20224x144xf32, #tpu.memory_space<hbm>> -> memref<632x144xf32, #tpu.memory_space<hbm>>
      %dma_start3A_13 = arith.constant 0 : i32
      %dma_start3A_14 = tpu.memref_slice %arg10[%mul3A_2, %dma_start3A_13] : memref<10112x144xf32, #tpu.memory_space<vmem_shared>> -> memref<632x144xf32, #tpu.memory_space<vmem_shared>>
      tpu.enqueue_dma source(%dma_start3A_14 : memref<632x144xf32, #tpu.memory_space<vmem_shared>>) target(%dma_start3A_12 : memref<632x144xf32, #tpu.memory_space<hbm>>) target_semaphore(%run_scoped3A : memref<!tpu.dma_semaphore, #tpu.memory_space<semaphore_mem>>)
      %dma_wait3A = arith.constant 0 : i32
      %dma_wait3A_15 = tpu.memref_slice %arg6[%add3A_11, %dma_wait3A] : memref<20224x144xf32, #tpu.memory_space<hbm>> -> memref<632x144xf32, #tpu.memory_space<hbm>>
      %dma_wait3A_16 = arith.constant 0 : i32
      %dma_wait3A_17 = tpu.memref_slice %arg10[%mul3A_2, %dma_wait3A_16] : memref<10112x144xf32, #tpu.memory_space<vmem_shared>> -> memref<632x144xf32, #tpu.memory_space<vmem_shared>>
      tpu.wait_dma2 semaphore(%run_scoped3A : memref<!tpu.dma_semaphore, #tpu.memory_space<semaphore_mem>>) src(%dma_wait3A_17 : memref<632x144xf32, #tpu.memory_space<vmem_shared>>) dst(%dma_wait3A_15 : memref<632x144xf32, #tpu.memory_space<hbm>>)
      tpu.yield
    }) : () -> ()
    return
  }
}

module attributes {stable_mosaic.version = 14 : i64} {
  func.func @body(%arg0: i32, %arg1: memref<1264x128xf32, #tpu.memory_space<vmem>>, %arg2: memref<128x128xf32, #tpu.memory_space<vmem>>, %arg3: memref<128x128xf32, #tpu.memory_space<vmem>>, %arg4: memref<1264x144xf32, #tpu.memory_space<vmem>>, %arg5: memref<1264x128xf32, #tpu.memory_space<vmem>>) attributes {dimension_semantics = [#tpu.dimension_semantics<arbitrary>], iteration_bounds = array<i64: 8>, scalar_prefetch = 0 : i64, scratch_operands = 0 : i64, tpu.core_type = #tpu.core_type<tc>, window_params = [{transform_indices = @transform_0, window_bounds = array<i64: 1264, 128>}, {pipeline_mode = #tpu.pipeline_mode<synchronous>, transform_indices = @transform_1, window_bounds = array<i64: 128, 128>}, {pipeline_mode = #tpu.pipeline_mode<synchronous>, transform_indices = @transform_2, window_bounds = array<i64: 128, 128>}, {transform_indices = @transform_3, window_bounds = array<i64: 1264, 144>}, {transform_indices = @transform_4, window_bounds = array<i64: 1264, 128>}]} {
    %get3A = arith.constant 0 : index
    %get3A_0 = arith.constant 0 : index
    %get3A_1 = vector.load %arg1[%get3A, %get3A_0] : memref<1264x128xf32, #tpu.memory_space<vmem>>, vector<1264x128xf32>
    %get3A_2 = arith.constant 0 : index
    %get3A_3 = arith.constant 0 : index
    %get3A_4 = vector.load %arg2[%get3A_2, %get3A_3] : memref<128x128xf32, #tpu.memory_space<vmem>>, vector<128x128xf32>
    %dot_general3A = arith.constant dense<0.000000e+00> : vector<1264x128xf32>
    %dot_general3A_5 = tpu.matmul %get3A_1, %get3A_4, %dot_general3A {dimension_numbers = #tpu.dot_dimension_numbers<[1], [0], [0], [1], [0, 0, 1, 1], [], []>, transpose_lhs_hint = false} : vector<1264x128xf32>, vector<128x128xf32>, vector<1264x128xf32> -> vector<1264x128xf32>
    %get3A_6 = arith.constant 0 : index
    %get3A_7 = arith.constant 0 : index
    %get3A_8 = vector.load %arg3[%get3A_6, %get3A_7] : memref<128x128xf32, #tpu.memory_space<vmem>>, vector<128x128xf32>
    %dot_general3A_9 = arith.constant dense<0.000000e+00> : vector<1264x128xf32>
    %dot_general3A_10 = tpu.matmul %get3A_1, %get3A_8, %dot_general3A_9 {dimension_numbers = #tpu.dot_dimension_numbers<[1], [0], [0], [1], [0, 0, 1, 1], [], []>, transpose_lhs_hint = false} : vector<1264x128xf32>, vector<128x128xf32>, vector<1264x128xf32> -> vector<1264x128xf32>
    %swap3A = arith.constant 0 : index
    %swap3A_11 = arith.constant 0 : index
    %swap3A_12 = vector.load %arg5[%swap3A, %swap3A_11] : memref<1264x128xf32, #tpu.memory_space<vmem>>, vector<1264x128xf32>
    tpu.vector_store %arg5[%swap3A, %swap3A_11], %dot_general3A_10 {strides = array<i32>} : memref<1264x128xf32, #tpu.memory_space<vmem>>, vector<1264x128xf32>,
    %broadcast_in_dim3A = arith.constant 1.000000e+00 : f32
    %broadcast_in_dim3A_13 = vector.broadcast %broadcast_in_dim3A : f32 to vector<1264x1xf32>
    %broadcast_in_dim3A_14 = arith.constant 0.000000e+00 : f32
    %broadcast_in_dim3A_15 = vector.broadcast %broadcast_in_dim3A_14 : f32 to vector<1264x15xf32>
    %concatenate3A = tpu.concatenate %dot_general3A_5, %broadcast_in_dim3A_13, %broadcast_in_dim3A_15 in 1 : vector<1264x128xf32>, vector<1264x1xf32>, vector<1264x15xf32> -> vector<1264x144xf32>
    %swap3A_16 = arith.constant 0 : index
    %swap3A_17 = arith.constant 0 : index
    %swap3A_18 = vector.load %arg4[%swap3A_16, %swap3A_17] : memref<1264x144xf32, #tpu.memory_space<vmem>>, vector<1264x144xf32>
    tpu.vector_store %arg4[%swap3A_16, %swap3A_17], %concatenate3A {strides = array<i32>} : memref<1264x144xf32, #tpu.memory_space<vmem>>, vector<1264x144xf32>,
    return
  }
  func.func @transform_0(%arg0: i32) -> (i32, i32) {
    %c0_i32 = arith.constant 0 : i32
    %c0_i32_0 = arith.constant 0 : i32
    return %arg0, %c0_i32 : i32, i32
  }
  func.func @transform_1(%arg0: i32) -> (i32, i32) {
    %c0_i32 = arith.constant 0 : i32
    %c0_i32_0 = arith.constant 0 : i32
    %c0_i32_1 = arith.constant 0 : i32
    return %c0_i32, %c0_i32_0 : i32, i32
  }
  func.func @transform_2(%arg0: i32) -> (i32, i32) {
    %c0_i32 = arith.constant 0 : i32
    %c0_i32_0 = arith.constant 0 : i32
    %c0_i32_1 = arith.constant 0 : i32
    return %c0_i32, %c0_i32_0 : i32, i32
  }
  func.func @transform_3(%arg0: i32) -> (i32, i32) {
    %c0_i32 = arith.constant 0 : i32
    %c0_i32_0 = arith.constant 0 : i32
    return %arg0, %c0_i32 : i32, i32
  }
  func.func @transform_4(%arg0: i32) -> (i32, i32) {
    %c0_i32 = arith.constant 0 : i32
    %c0_i32_0 = arith.constant 0 : i32
    return %arg0, %c0_i32 : i32, i32
  }
}

module attributes {stable_mosaic.version = 14 : i64} {
  func.func @body(%arg0: i32, %arg1: memref<1264x144xf32, #tpu.memory_space<vmem>>, %arg2: memref<1264x144xf32, #tpu.memory_space<vmem>>, %arg3: memref<1264x128xf32, #tpu.memory_space<vmem>>, %arg4: memref<1x128xf32, #tpu.memory_space<vmem>>, %arg5: memref<128x64xf32, #tpu.memory_space<vmem>>, %arg6: memref<128x64xf32, #tpu.memory_space<vmem>>, %arg7: memref<1264x64xf32, #tpu.memory_space<vmem>>, %arg8: memref<1264x64xf32, #tpu.memory_space<vmem>>, %arg9: memref<1264x1xf32, #tpu.memory_space<vmem>>) attributes {dimension_semantics = [#tpu.dimension_semantics<arbitrary>], iteration_bounds = array<i64: 8>, scalar_prefetch = 0 : i64, scratch_operands = 0 : i64, tpu.core_type = #tpu.core_type<tc>, window_params = [{transform_indices = @transform_0, window_bounds = array<i64: 1264, 144>}, {transform_indices = @transform_1, window_bounds = array<i64: 1264, 144>}, {transform_indices = @transform_2, window_bounds = array<i64: 1264, 128>}, {pipeline_mode = #tpu.pipeline_mode<synchronous>, transform_indices = @transform_3, window_bounds = array<i64: 1, 128>}, {pipeline_mode = #tpu.pipeline_mode<synchronous>, transform_indices = @transform_4, window_bounds = array<i64: 128, 64>}, {pipeline_mode = #tpu.pipeline_mode<synchronous>, transform_indices = @transform_5, window_bounds = array<i64: 128, 64>}, {transform_indices = @transform_6, window_bounds = array<i64: 1264, 64>}, {transform_indices = @transform_7, window_bounds = array<i64: 1264, 64>}, {transform_indices = @transform_8, window_bounds = array<i64: 1264, 1>}]} {
    %get3A = arith.constant 0 : index
    %get3A_0 = arith.constant 0 : index
    %get3A_1 = vector.load %arg1[%get3A, %get3A_0] : memref<1264x144xf32, #tpu.memory_space<vmem>>, vector<1264x144xf32>
    %get3A_2 = arith.constant 0 : index
    %get3A_3 = arith.constant 0 : index
    %get3A_4 = vector.load %arg2[%get3A_2, %get3A_3] : memref<1264x144xf32, #tpu.memory_space<vmem>>, vector<1264x144xf32>
    %add3A = arith.addf %get3A_1, %get3A_4 : vector<1264x144xf32>
    %slice3A = vector.extract_strided_slice %add3A {offsets = [0, 128], sizes = [1264, 1], strides = [1, 1]} : vector<1264x144xf32> to vector<1264x1xf32>
    %max3A = arith.constant 1.000000e+00 : f32
    %max3A_5 = vector.broadcast %max3A : f32 to vector<1264x1xf32>
    %max3A_6 = arith.maximumf %slice3A, %max3A_5 : vector<1264x1xf32>
    %div3A = arith.constant 1.000000e+00 : f32
    %div3A_7 = vector.broadcast %div3A : f32 to vector<1264x1xf32>
    %div3A_8 = arith.divf %div3A_7, %max3A_6 : vector<1264x1xf32>
    %slice3A_9 = vector.extract_strided_slice %add3A {offsets = [0, 0], sizes = [1264, 128], strides = [1, 1]} : vector<1264x144xf32> to vector<1264x128xf32>
    %mul3A = vector.broadcast %div3A_8 : vector<1264x1xf32> to vector<1264x128xf32>
    %mul3A_10 = arith.mulf %slice3A_9, %mul3A : vector<1264x128xf32>
    %get3A_11 = arith.constant 0 : index
    %get3A_12 = arith.constant 0 : index
    %get3A_13 = vector.load %arg4[%get3A_11, %get3A_12] : memref<1x128xf32, #tpu.memory_space<vmem>>, vector<1x128xf32>
    %add3A_14 = vector.broadcast %get3A_13 : vector<1x128xf32> to vector<1264x128xf32>
    %add3A_15 = arith.addf %mul3A_10, %add3A_14 : vector<1264x128xf32>
    %get3A_16 = arith.constant 0 : index
    %get3A_17 = arith.constant 0 : index
    %get3A_18 = vector.load %arg3[%get3A_16, %get3A_17] : memref<1264x128xf32, #tpu.memory_space<vmem>>, vector<1264x128xf32>
    %add3A_19 = arith.addf %add3A_15, %get3A_18 : vector<1264x128xf32>
    %mul3A_20 = arith.mulf %add3A_19, %add3A_19 : vector<1264x128xf32>
    %reduce_sum3A = arith.constant dense<0.000000e+00> : vector<1264xf32>
    %reduce_sum3A_21 = vector.multi_reduction <add>, %mul3A_20, %reduce_sum3A [1] : vector<1264x128xf32> to vector<1264xf32>
    %broadcast_in_dim3A = vector.shape_cast %reduce_sum3A_21 : vector<1264xf32> to vector<1264x1xf32>
    %sqrt3A = math.sqrt %broadcast_in_dim3A : vector<1264x1xf32>
    %max3A_22 = arith.constant 9.99999996E-13 : f32
    %max3A_23 = vector.broadcast %max3A_22 : f32 to vector<1264x1xf32>
    %max3A_24 = arith.maximumf %sqrt3A, %max3A_23 : vector<1264x1xf32>
    %div3A_25 = vector.broadcast %max3A_24 : vector<1264x1xf32> to vector<1264x128xf32>
    %div3A_26 = arith.divf %add3A_19, %div3A_25 : vector<1264x128xf32>
    %max3A_27 = arith.constant 0.000000e+00 : f32
    %max3A_28 = vector.broadcast %max3A_27 : f32 to vector<1264x128xf32>
    %max3A_29 = arith.maximumf %div3A_26, %max3A_28 : vector<1264x128xf32>
    %get3A_30 = arith.constant 0 : index
    %get3A_31 = arith.constant 0 : index
    %get3A_32 = vector.load %arg5[%get3A_30, %get3A_31] : memref<128x64xf32, #tpu.memory_space<vmem>>, vector<128x64xf32>
    %dot_general3A = arith.constant dense<0.000000e+00> : vector<1264x64xf32>
    %dot_general3A_33 = tpu.matmul %max3A_29, %get3A_32, %dot_general3A {dimension_numbers = #tpu.dot_dimension_numbers<[1], [0], [0], [1], [0, 0, 1, 1], [], []>, transpose_lhs_hint = false} : vector<1264x128xf32>, vector<128x64xf32>, vector<1264x64xf32> -> vector<1264x64xf32>
    %swap3A = arith.constant 0 : index
    %swap3A_34 = arith.constant 0 : index
    %swap3A_35 = vector.load %arg7[%swap3A, %swap3A_34] : memref<1264x64xf32, #tpu.memory_space<vmem>>, vector<1264x64xf32>
    tpu.vector_store %arg7[%swap3A, %swap3A_34], %dot_general3A_33 {strides = array<i32>} : memref<1264x64xf32, #tpu.memory_space<vmem>>, vector<1264x64xf32>,
    %get3A_36 = arith.constant 0 : index
    %get3A_37 = arith.constant 0 : index
    %get3A_38 = vector.load %arg6[%get3A_36, %get3A_37] : memref<128x64xf32, #tpu.memory_space<vmem>>, vector<128x64xf32>
    %dot_general3A_39 = arith.constant dense<0.000000e+00> : vector<1264x64xf32>
    %dot_general3A_40 = tpu.matmul %max3A_29, %get3A_38, %dot_general3A_39 {dimension_numbers = #tpu.dot_dimension_numbers<[1], [0], [0], [1], [0, 0, 1, 1], [], []>, transpose_lhs_hint = false} : vector<1264x128xf32>, vector<128x64xf32>, vector<1264x64xf32> -> vector<1264x64xf32>
    %swap3A_41 = arith.constant 0 : index
    %swap3A_42 = arith.constant 0 : index
    %swap3A_43 = vector.load %arg8[%swap3A_41, %swap3A_42] : memref<1264x64xf32, #tpu.memory_space<vmem>>, vector<1264x64xf32>
    tpu.vector_store %arg8[%swap3A_41, %swap3A_42], %dot_general3A_40 {strides = array<i32>} : memref<1264x64xf32, #tpu.memory_space<vmem>>, vector<1264x64xf32>,
    %swap3A_44 = arith.constant 0 : index
    %swap3A_45 = arith.constant 0 : index
    %swap3A_46 = vector.load %arg9[%swap3A_44, %swap3A_45] : memref<1264x1xf32, #tpu.memory_space<vmem>>, vector<1264x1xf32>
    tpu.vector_store %arg9[%swap3A_44, %swap3A_45], %div3A_8 {strides = array<i32>} : memref<1264x1xf32, #tpu.memory_space<vmem>>, vector<1264x1xf32>,
    return
  }
  func.func @transform_0(%arg0: i32) -> (i32, i32) {
    %c0_i32 = arith.constant 0 : i32
    %c0_i32_0 = arith.constant 0 : i32
    return %arg0, %c0_i32 : i32, i32
  }
  func.func @transform_1(%arg0: i32) -> (i32, i32) {
    %add3A = arith.constant 8 : i32
    %add3A_0 = arith.addi %arg0, %add3A : i32
    %c0_i32 = arith.constant 0 : i32
    %c0_i32_1 = arith.constant 0 : i32
    return %add3A_0, %c0_i32 : i32, i32
  }
  func.func @transform_2(%arg0: i32) -> (i32, i32) {
    %c0_i32 = arith.constant 0 : i32
    %c0_i32_0 = arith.constant 0 : i32
    return %arg0, %c0_i32 : i32, i32
  }
  func.func @transform_3(%arg0: i32) -> (i32, i32) {
    %c0_i32 = arith.constant 0 : i32
    %c0_i32_0 = arith.constant 0 : i32
    %c0_i32_1 = arith.constant 0 : i32
    return %c0_i32, %c0_i32_0 : i32, i32
  }
  func.func @transform_4(%arg0: i32) -> (i32, i32) {
    %c0_i32 = arith.constant 0 : i32
    %c0_i32_0 = arith.constant 0 : i32
    %c0_i32_1 = arith.constant 0 : i32
    return %c0_i32, %c0_i32_0 : i32, i32
  }
  func.func @transform_5(%arg0: i32) -> (i32, i32) {
    %c0_i32 = arith.constant 0 : i32
    %c0_i32_0 = arith.constant 0 : i32
    %c0_i32_1 = arith.constant 0 : i32
    return %c0_i32, %c0_i32_0 : i32, i32
  }
  func.func @transform_6(%arg0: i32) -> (i32, i32) {
    %c0_i32 = arith.constant 0 : i32
    %c0_i32_0 = arith.constant 0 : i32
    return %arg0, %c0_i32 : i32, i32
  }
  func.func @transform_7(%arg0: i32) -> (i32, i32) {
    %c0_i32 = arith.constant 0 : i32
    %c0_i32_0 = arith.constant 0 : i32
    return %arg0, %c0_i32 : i32, i32
  }
  func.func @transform_8(%arg0: i32) -> (i32, i32) {
    %c0_i32 = arith.constant 0 : i32
    %c0_i32_0 = arith.constant 0 : i32
    return %arg0, %c0_i32 : i32, i32
  }
}

module attributes {stable_mosaic.version = 14 : i64} {
  func.func @body(%arg0: i32, %arg1: memref<1264x64xf32, #tpu.memory_space<vmem>>, %arg2: memref<1264x64xf32, #tpu.memory_space<vmem>>, %arg3: memref<1264x64xf32, #tpu.memory_space<vmem>>, %arg4: memref<1x64xf32, #tpu.memory_space<vmem>>, %arg5: memref<1264x1xf32, #tpu.memory_space<vmem>>, %arg6: memref<64x32xf32, #tpu.memory_space<vmem>>, %arg7: memref<64x32xf32, #tpu.memory_space<vmem>>, %arg8: memref<1264x32xf32, #tpu.memory_space<vmem>>, %arg9: memref<1264x32xf32, #tpu.memory_space<vmem>>) attributes {dimension_semantics = [#tpu.dimension_semantics<arbitrary>], iteration_bounds = array<i64: 8>, scalar_prefetch = 0 : i64, scratch_operands = 0 : i64, tpu.core_type = #tpu.core_type<tc>, window_params = [{transform_indices = @transform_0, window_bounds = array<i64: 1264, 64>}, {transform_indices = @transform_1, window_bounds = array<i64: 1264, 64>}, {transform_indices = @transform_2, window_bounds = array<i64: 1264, 64>}, {pipeline_mode = #tpu.pipeline_mode<synchronous>, transform_indices = @transform_3, window_bounds = array<i64: 1, 64>}, {transform_indices = @transform_4, window_bounds = array<i64: 1264, 1>}, {pipeline_mode = #tpu.pipeline_mode<synchronous>, transform_indices = @transform_5, window_bounds = array<i64: 64, 32>}, {pipeline_mode = #tpu.pipeline_mode<synchronous>, transform_indices = @transform_6, window_bounds = array<i64: 64, 32>}, {transform_indices = @transform_7, window_bounds = array<i64: 1264, 32>}, {transform_indices = @transform_8, window_bounds = array<i64: 1264, 32>}]} {
    %get3A = arith.constant 0 : index
    %get3A_0 = arith.constant 0 : index
    %get3A_1 = vector.load %arg1[%get3A, %get3A_0] : memref<1264x64xf32, #tpu.memory_space<vmem>>, vector<1264x64xf32>
    %get3A_2 = arith.constant 0 : index
    %get3A_3 = arith.constant 0 : index
    %get3A_4 = vector.load %arg2[%get3A_2, %get3A_3] : memref<1264x64xf32, #tpu.memory_space<vmem>>, vector<1264x64xf32>
    %add3A = arith.addf %get3A_1, %get3A_4 : vector<1264x64xf32>
    %get3A_5 = arith.constant 0 : index
    %get3A_6 = arith.constant 0 : index
    %get3A_7 = vector.load %arg5[%get3A_5, %get3A_6] : memref<1264x1xf32, #tpu.memory_space<vmem>>, vector<1264x1xf32>
    %mul3A = vector.broadcast %get3A_7 : vector<1264x1xf32> to vector<1264x64xf32>
    %mul3A_8 = arith.mulf %add3A, %mul3A : vector<1264x64xf32>
    %get3A_9 = arith.constant 0 : index
    %get3A_10 = arith.constant 0 : index
    %get3A_11 = vector.load %arg4[%get3A_9, %get3A_10] : memref<1x64xf32, #tpu.memory_space<vmem>>, vector<1x64xf32>
    %add3A_12 = vector.broadcast %get3A_11 : vector<1x64xf32> to vector<1264x64xf32>
    %add3A_13 = arith.addf %mul3A_8, %add3A_12 : vector<1264x64xf32>
    %get3A_14 = arith.constant 0 : index
    %get3A_15 = arith.constant 0 : index
    %get3A_16 = vector.load %arg3[%get3A_14, %get3A_15] : memref<1264x64xf32, #tpu.memory_space<vmem>>, vector<1264x64xf32>
    %add3A_17 = arith.addf %add3A_13, %get3A_16 : vector<1264x64xf32>
    %mul3A_18 = arith.mulf %add3A_17, %add3A_17 : vector<1264x64xf32>
    %reduce_sum3A = arith.constant dense<0.000000e+00> : vector<1264xf32>
    %reduce_sum3A_19 = vector.multi_reduction <add>, %mul3A_18, %reduce_sum3A [1] : vector<1264x64xf32> to vector<1264xf32>
    %broadcast_in_dim3A = vector.shape_cast %reduce_sum3A_19 : vector<1264xf32> to vector<1264x1xf32>
    %sqrt3A = math.sqrt %broadcast_in_dim3A : vector<1264x1xf32>
    %max3A = arith.constant 9.99999996E-13 : f32
    %max3A_20 = vector.broadcast %max3A : f32 to vector<1264x1xf32>
    %max3A_21 = arith.maximumf %sqrt3A, %max3A_20 : vector<1264x1xf32>
    %div3A = vector.broadcast %max3A_21 : vector<1264x1xf32> to vector<1264x64xf32>
    %div3A_22 = arith.divf %add3A_17, %div3A : vector<1264x64xf32>
    %max3A_23 = arith.constant 0.000000e+00 : f32
    %max3A_24 = vector.broadcast %max3A_23 : f32 to vector<1264x64xf32>
    %max3A_25 = arith.maximumf %div3A_22, %max3A_24 : vector<1264x64xf32>
    %get3A_26 = arith.constant 0 : index
    %get3A_27 = arith.constant 0 : index
    %get3A_28 = vector.load %arg6[%get3A_26, %get3A_27] : memref<64x32xf32, #tpu.memory_space<vmem>>, vector<64x32xf32>
    %dot_general3A = arith.constant dense<0.000000e+00> : vector<1264x32xf32>
    %dot_general3A_29 = tpu.matmul %max3A_25, %get3A_28, %dot_general3A {dimension_numbers = #tpu.dot_dimension_numbers<[1], [0], [0], [1], [0, 0, 1, 1], [], []>, transpose_lhs_hint = false} : vector<1264x64xf32>, vector<64x32xf32>, vector<1264x32xf32> -> vector<1264x32xf32>
    %swap3A = arith.constant 0 : index
    %swap3A_30 = arith.constant 0 : index
    %swap3A_31 = vector.load %arg8[%swap3A, %swap3A_30] : memref<1264x32xf32, #tpu.memory_space<vmem>>, vector<1264x32xf32>
    tpu.vector_store %arg8[%swap3A, %swap3A_30], %dot_general3A_29 {strides = array<i32>} : memref<1264x32xf32, #tpu.memory_space<vmem>>, vector<1264x32xf32>,
    %get3A_32 = arith.constant 0 : index
    %get3A_33 = arith.constant 0 : index
    %get3A_34 = vector.load %arg7[%get3A_32, %get3A_33] : memref<64x32xf32, #tpu.memory_space<vmem>>, vector<64x32xf32>
    %dot_general3A_35 = arith.constant dense<0.000000e+00> : vector<1264x32xf32>
    %dot_general3A_36 = tpu.matmul %max3A_25, %get3A_34, %dot_general3A_35 {dimension_numbers = #tpu.dot_dimension_numbers<[1], [0], [0], [1], [0, 0, 1, 1], [], []>, transpose_lhs_hint = false} : vector<1264x64xf32>, vector<64x32xf32>, vector<1264x32xf32> -> vector<1264x32xf32>
    %swap3A_37 = arith.constant 0 : index
    %swap3A_38 = arith.constant 0 : index
    %swap3A_39 = vector.load %arg9[%swap3A_37, %swap3A_38] : memref<1264x32xf32, #tpu.memory_space<vmem>>, vector<1264x32xf32>
    tpu.vector_store %arg9[%swap3A_37, %swap3A_38], %dot_general3A_36 {strides = array<i32>} : memref<1264x32xf32, #tpu.memory_space<vmem>>, vector<1264x32xf32>,
    return
  }
  func.func @transform_0(%arg0: i32) -> (i32, i32) {
    %c0_i32 = arith.constant 0 : i32
    %c0_i32_0 = arith.constant 0 : i32
    return %arg0, %c0_i32 : i32, i32
  }
  func.func @transform_1(%arg0: i32) -> (i32, i32) {
    %add3A = arith.constant 8 : i32
    %add3A_0 = arith.addi %arg0, %add3A : i32
    %c0_i32 = arith.constant 0 : i32
    %c0_i32_1 = arith.constant 0 : i32
    return %add3A_0, %c0_i32 : i32, i32
  }
  func.func @transform_2(%arg0: i32) -> (i32, i32) {
    %c0_i32 = arith.constant 0 : i32
    %c0_i32_0 = arith.constant 0 : i32
    return %arg0, %c0_i32 : i32, i32
  }
  func.func @transform_3(%arg0: i32) -> (i32, i32) {
    %c0_i32 = arith.constant 0 : i32
    %c0_i32_0 = arith.constant 0 : i32
    %c0_i32_1 = arith.constant 0 : i32
    return %c0_i32, %c0_i32_0 : i32, i32
  }
  func.func @transform_4(%arg0: i32) -> (i32, i32) {
    %c0_i32 = arith.constant 0 : i32
    %c0_i32_0 = arith.constant 0 : i32
    return %arg0, %c0_i32 : i32, i32
  }
  func.func @transform_5(%arg0: i32) -> (i32, i32) {
    %c0_i32 = arith.constant 0 : i32
    %c0_i32_0 = arith.constant 0 : i32
    %c0_i32_1 = arith.constant 0 : i32
    return %c0_i32, %c0_i32_0 : i32, i32
  }
  func.func @transform_6(%arg0: i32) -> (i32, i32) {
    %c0_i32 = arith.constant 0 : i32
    %c0_i32_0 = arith.constant 0 : i32
    %c0_i32_1 = arith.constant 0 : i32
    return %c0_i32, %c0_i32_0 : i32, i32
  }
  func.func @transform_7(%arg0: i32) -> (i32, i32) {
    %c0_i32 = arith.constant 0 : i32
    %c0_i32_0 = arith.constant 0 : i32
    return %arg0, %c0_i32 : i32, i32
  }
  func.func @transform_8(%arg0: i32) -> (i32, i32) {
    %c0_i32 = arith.constant 0 : i32
    %c0_i32_0 = arith.constant 0 : i32
    return %arg0, %c0_i32 : i32, i32
  }
}

module attributes {stable_mosaic.version = 14 : i64} {
  func.func @body(%arg0: memref<10000x32xf32, #tpu.memory_space<vmem>>, %arg1: memref<10000x32xf32, #tpu.memory_space<vmem>>, %arg2: memref<10000x32xf32, #tpu.memory_space<vmem>>, %arg3: memref<1x32xf32, #tpu.memory_space<vmem>>, %arg4: memref<10000x1xf32, #tpu.memory_space<vmem>>, %arg5: memref<32x32xf32, #tpu.memory_space<vmem>>, %arg6: memref<32x16xf32, #tpu.memory_space<vmem>>, %arg7: memref<1x16xf32, #tpu.memory_space<vmem>>, %arg8: memref<16x1xf32, #tpu.memory_space<vmem>>, %arg9: memref<1x1xf32, #tpu.memory_space<vmem>>, %arg10: memref<1x1xf32, #tpu.memory_space<vmem>>) attributes {dimension_semantics = [], scalar_prefetch = 0 : i64, scratch_operands = 0 : i64, tpu.core_type = #tpu.core_type<tc>} {
    %get3A = arith.constant 0 : index
    %get3A_0 = arith.constant 0 : index
    %get3A_1 = vector.load %arg0[%get3A, %get3A_0] : memref<10000x32xf32, #tpu.memory_space<vmem>>, vector<10000x32xf32>
    %get3A_2 = arith.constant 0 : index
    %get3A_3 = arith.constant 0 : index
    %get3A_4 = vector.load %arg1[%get3A_2, %get3A_3] : memref<10000x32xf32, #tpu.memory_space<vmem>>, vector<10000x32xf32>
    %add3A = arith.addf %get3A_1, %get3A_4 : vector<10000x32xf32>
    %get3A_5 = arith.constant 0 : index
    %get3A_6 = arith.constant 0 : index
    %get3A_7 = vector.load %arg4[%get3A_5, %get3A_6] : memref<10000x1xf32, #tpu.memory_space<vmem>>, vector<10000x1xf32>
    %mul3A = vector.broadcast %get3A_7 : vector<10000x1xf32> to vector<10000x32xf32>
    %mul3A_8 = arith.mulf %add3A, %mul3A : vector<10000x32xf32>
    %get3A_9 = arith.constant 0 : index
    %get3A_10 = arith.constant 0 : index
    %get3A_11 = vector.load %arg3[%get3A_9, %get3A_10] : memref<1x32xf32, #tpu.memory_space<vmem>>, vector<1x32xf32>
    %add3A_12 = vector.broadcast %get3A_11 : vector<1x32xf32> to vector<10000x32xf32>
    %add3A_13 = arith.addf %mul3A_8, %add3A_12 : vector<10000x32xf32>
    %get3A_14 = arith.constant 0 : index
    %get3A_15 = arith.constant 0 : index
    %get3A_16 = vector.load %arg2[%get3A_14, %get3A_15] : memref<10000x32xf32, #tpu.memory_space<vmem>>, vector<10000x32xf32>
    %add3A_17 = arith.addf %add3A_13, %get3A_16 : vector<10000x32xf32>
    %mul3A_18 = arith.mulf %add3A_17, %add3A_17 : vector<10000x32xf32>
    %reduce_sum3A = arith.constant dense<0.000000e+00> : vector<10000xf32>
    %reduce_sum3A_19 = vector.multi_reduction <add>, %mul3A_18, %reduce_sum3A [1] : vector<10000x32xf32> to vector<10000xf32>
    %broadcast_in_dim3A = vector.shape_cast %reduce_sum3A_19 : vector<10000xf32> to vector<10000x1xf32>
    %sqrt3A = math.sqrt %broadcast_in_dim3A : vector<10000x1xf32>
    %max3A = arith.constant 9.99999996E-13 : f32
    %max3A_20 = vector.broadcast %max3A : f32 to vector<10000x1xf32>
    %max3A_21 = arith.maximumf %sqrt3A, %max3A_20 : vector<10000x1xf32>
    %div3A = vector.broadcast %max3A_21 : vector<10000x1xf32> to vector<10000x32xf32>
    %div3A_22 = arith.divf %add3A_17, %div3A : vector<10000x32xf32>
    %reduce_sum3A_23 = arith.constant dense<0.000000e+00> : vector<32xf32>
    %reduce_sum3A_24 = vector.multi_reduction <add>, %div3A_22, %reduce_sum3A_23 [0] : vector<10000x32xf32> to vector<32xf32>
    %broadcast_in_dim3A_25 = vector.shape_cast %reduce_sum3A_24 : vector<32xf32> to vector<1x32xf32>
    %div3A_26 = arith.constant 1.000000e+04 : f32
    %div3A_27 = vector.broadcast %div3A_26 : f32 to vector<1x32xf32>
    %div3A_28 = arith.divf %broadcast_in_dim3A_25, %div3A_27 : vector<1x32xf32>
    %get3A_29 = arith.constant 0 : index
    %get3A_30 = arith.constant 0 : index
    %get3A_31 = vector.load %arg5[%get3A_29, %get3A_30] : memref<32x32xf32, #tpu.memory_space<vmem>>, vector<32x32xf32>
    %dot_general3A = arith.constant dense<0.000000e+00> : vector<1x32xf32>
    %dot_general3A_32 = tpu.matmul %div3A_28, %get3A_31, %dot_general3A {dimension_numbers = #tpu.dot_dimension_numbers<[1], [0], [0], [1], [0, 0, 1, 1], [], []>, transpose_lhs_hint = false} : vector<1x32xf32>, vector<32x32xf32>, vector<1x32xf32> -> vector<1x32xf32>
    %tanh3A = math.tanh %dot_general3A_32 : vector<1x32xf32>
    %mul3A_33 = vector.broadcast %tanh3A : vector<1x32xf32> to vector<10000x32xf32>
    %mul3A_34 = arith.mulf %div3A_22, %mul3A_33 : vector<10000x32xf32>
    %reduce_sum3A_35 = arith.constant dense<0.000000e+00> : vector<10000xf32>
    %reduce_sum3A_36 = vector.multi_reduction <add>, %mul3A_34, %reduce_sum3A_35 [1] : vector<10000x32xf32> to vector<10000xf32>
    %broadcast_in_dim3A_37 = vector.shape_cast %reduce_sum3A_36 : vector<10000xf32> to vector<10000x1xf32>
    %logistic3A = arith.negf %broadcast_in_dim3A_37 : vector<10000x1xf32>
    %logistic3A_38 = math.exp %logistic3A : vector<10000x1xf32>
    %logistic3A_39 = arith.constant 1.000000e+00 : f32
    %logistic3A_40 = vector.broadcast %logistic3A_39 : f32 to vector<10000x1xf32>
    %logistic3A_41 = arith.addf %logistic3A_40, %logistic3A_38 : vector<10000x1xf32>
    %logistic3A_42 = arith.divf %logistic3A_40, %logistic3A_41 : vector<10000x1xf32>
    %mul3A_43 = vector.broadcast %logistic3A_42 : vector<10000x1xf32> to vector<10000x32xf32>
    %mul3A_44 = arith.mulf %div3A_22, %mul3A_43 : vector<10000x32xf32>
    %reduce_sum3A_45 = arith.constant dense<0.000000e+00> : vector<32xf32>
    %reduce_sum3A_46 = vector.multi_reduction <add>, %mul3A_44, %reduce_sum3A_45 [0] : vector<10000x32xf32> to vector<32xf32>
    %broadcast_in_dim3A_47 = vector.shape_cast %reduce_sum3A_46 : vector<32xf32> to vector<1x32xf32>
    %get3A_48 = arith.constant 0 : index
    %get3A_49 = arith.constant 0 : index
    %get3A_50 = vector.load %arg6[%get3A_48, %get3A_49] : memref<32x16xf32, #tpu.memory_space<vmem>>, vector<32x16xf32>
    %dot_general3A_51 = arith.constant dense<0.000000e+00> : vector<1x16xf32>
    %dot_general3A_52 = tpu.matmul %broadcast_in_dim3A_47, %get3A_50, %dot_general3A_51 {dimension_numbers = #tpu.dot_dimension_numbers<[1], [0], [0], [1], [0, 0, 1, 1], [], []>, transpose_lhs_hint = false} : vector<1x32xf32>, vector<32x16xf32>, vector<1x16xf32> -> vector<1x16xf32>
    %get3A_53 = arith.constant 0 : index
    %get3A_54 = arith.constant 0 : index
    %get3A_55 = vector.load %arg7[%get3A_53, %get3A_54] : memref<1x16xf32, #tpu.memory_space<vmem>>, vector<1x16xf32>
    %add3A_56 = arith.addf %dot_general3A_52, %get3A_55 : vector<1x16xf32>
    %max3A_57 = arith.constant 0.000000e+00 : f32
    %max3A_58 = vector.broadcast %max3A_57 : f32 to vector<1x16xf32>
    %max3A_59 = arith.maximumf %add3A_56, %max3A_58 : vector<1x16xf32>
    %get3A_60 = arith.constant 0 : index
    %get3A_61 = arith.constant 0 : index
    %get3A_62 = vector.load %arg8[%get3A_60, %get3A_61] : memref<16x1xf32, #tpu.memory_space<vmem>>, vector<16x1xf32>
    %dot_general3A_63 = arith.constant dense<0.000000e+00> : vector<1x1xf32>
    %dot_general3A_64 = tpu.matmul %max3A_59, %get3A_62, %dot_general3A_63 {dimension_numbers = #tpu.dot_dimension_numbers<[1], [0], [0], [1], [0, 0, 1, 1], [], []>, transpose_lhs_hint = false} : vector<1x16xf32>, vector<16x1xf32>, vector<1x1xf32> -> vector<1x1xf32>
    %get3A_65 = arith.constant 0 : index
    %get3A_66 = arith.constant 0 : index
    %get3A_67 = vector.load %arg9[%get3A_65, %get3A_66] : memref<1x1xf32, #tpu.memory_space<vmem>>, vector<1x1xf32>
    %add3A_68 = arith.addf %dot_general3A_64, %get3A_67 : vector<1x1xf32>
    %logistic3A_69 = arith.negf %add3A_68 : vector<1x1xf32>
    %logistic3A_70 = math.exp %logistic3A_69 : vector<1x1xf32>
    %logistic3A_71 = arith.constant 1.000000e+00 : f32
    %logistic3A_72 = vector.broadcast %logistic3A_71 : f32 to vector<1x1xf32>
    %logistic3A_73 = arith.addf %logistic3A_72, %logistic3A_70 : vector<1x1xf32>
    %logistic3A_74 = arith.divf %logistic3A_72, %logistic3A_73 : vector<1x1xf32>
    %swap3A = arith.constant 0 : index
    %swap3A_75 = arith.constant 0 : index
    %swap3A_76 = vector.load %arg10[%swap3A, %swap3A_75] : memref<1x1xf32, #tpu.memory_space<vmem>>, vector<1x1xf32>
    tpu.vector_store %arg10[%swap3A, %swap3A_75], %logistic3A_74 {strides = array<i32>} : memref<1x1xf32, #tpu.memory_space<vmem>>, vector<1x1xf32>,
    return
  }
}

</mosaic_0001>

<sc_bundles>
// kernel: kernel.12.cloned.1.call-start
scs
__scs_entry_jumppad:
0x0: {  	(pc) =	sbr.rel $0x88, $3  }
0x1: {  	(tag) =	ssettag $0x0;
	lr =	simm.s32 $0x1  }
0x2: {  	[smem:$0x3F91] =	sst lr;
	_ =	strace $0xD0000000  }
0x3: {  	_ = 	snop  }
0x4: {  	_ = 	snop  }
0x5: {  	_ = 	snop  }
0x6: {  	_ = 	snop  }
0x7: {  	_ = 	snop  }
__scs_overlays_trampoline_lowered:
0x8: {  	[smem:$0x3FA0] =	sst s0  }
0x9: {  	[smem:$0x3FA1] =	sst s1  }
0xa: {  	[smem:$0x3FA2] =	sst s2  }
0xb: {  	[smem:$0x3FA3] =	sst s3  }
0xc: {  	[smem:$0x3FA4] =	sst s4  }
0xd: {  	[smem:$0x3FA5] =	sst s5  }
0xe: {  	[smem:$0x3FA6] =	sst s6  }
0xf: {  	[smem:$0x3FA7] =	sst s7  }
0x10: {  	[smem:$0x3FA8] =	sst s8  }
0x11: {  	[smem:$0x3FA9] =	sst s9;
	s0 =	simm.s32 @!p0 $0x0  }
0x12: {  	s1 =	sld [smem:$0x3F8F];
	s0 =	simm.s32 @p0 $0x1  }
0x13: {  	[smem:$0x3FAA] =	sst s0;
	s0 =	simm.s32 @!p1 $0x0  }
0x14: {  	s2 =	sld [smem:$0x3F8E];
	s0 =	simm.s32 @p1 $0x1  }
0x15: {  	[smem:$0x3FAB] =	sst s0;
	s0 =	simm.s32 @!p2 $0x0  }
0x16: {  	s3 =	sld [smem:$0x3FDB];
	s0 =	simm.s32 @p2 $0x1  }
0x17: {  	s4 =	simm.s32 $0x1BF5;
	[smem:$0x3FAD] =	sst s0  }
0x18: {  	s0 =	sld [smem:$0x3F90];
	_ =	swait.ge [sflag:s4], $0x0  }
0x19: {  	s7 =	sld [smem:$0x3F91]  }
0x1a: {  	s8 =	sadd.s32 $0xFFFFE003, lr  }
0x1b: {  	s9 =	sadd.s32 $0xFFFFFEF7, lr;
	s5 =	simm.s32 $0xFFFFFFFF;
	p2 =	slt.u32 s8, $0xFFFFF086  }
0x1c: {  	p1 =	slt.u32 s9, $0xF7A;
	s5 =	simm.s32 @!p2 $0x0  }
0x1d: {  	s5 =	simm.s32 @p1 $0x1;
	p0 =	seq.s32 s7, s2  }
0x1e: {  	s7 =	smul.u32 @!p0 $0xF7A, s2;
	p2 =	seq.s32 @!p0 s5, $0x0  }
0x1f: {  	s9 =	smul.u32 $0xF7A, s1;
	s8 =	simm.s32 @!p0 $0x1BF5;
	p2 =	por !p2, p0  }
0x20: {  	[sflag:s8] =	ssyncset.s32 @!p0 $0xFFFFF086;
	s6 =	sadd.s32 @!p0 s3, s7;
	s7 =	simm.s32 @!p0 $0x108  }
0x21: {  	s3 =	sadd.s32 s3, s9;
	s6 =	sadd.s32 @!p0 $0x88, s6;
	s7 =	simm.s32 @p2 $0x1082  }
0x22: {  	[simem:s7], [sflag:s8] =	dma.local @!p0 [hbm:s6], $0xF7A  }
0x23: {  	s9 =	sor.u32 $0xD0000000, s2;
	s6 =	simm.s32 $0x108;
	_ =	swait.ge @!p0 [sflag:s8], $0x0  }
0x24: {  	s3 =	sadd.s32 $0x88, s3;
	s6 =	simm.s32 @!p1 $0x1082;
	[sflag:s4] =	ssyncset.s32 $0xFFFFF086  }
0x25: {  	[simem:s6], [sflag:s4] =	dma.local [hbm:s3], $0xF7A  }
0x26: {  	[smem:$0x3F91] =	sst s1;
	(tag) =	ssettag s2;
	_ =	strace s9  }
0x27: {  	s1 =	sld [smem:$0x3FA1]  }
0x28: {  	s2 =	sld [smem:$0x3FA2]  }
0x29: {  	s4 =	sld [smem:$0x3FA4]  }
0x2a: {  	p0 =	seq.s32 s5, $0x0;
	s5 =	sld [smem:$0x3FA5]  }
0x2b: {  	s6 =	sld [smem:$0x3FA6]  }
0x2c: {  	s7 =	sld [smem:$0x3FA7]  }
0x2d: {  	s3 =	simm.s32 $0x108;
	s8 =	sld [smem:$0x3FA8]  }
0x2e: {  	s3 =	simm.s32 @!p0 $0x1082;
	s9 =	sld [smem:$0x3FA9]  }
0x2f: {  	lr =	sadd.s32 s0, s3;
	s0 =	sld [smem:$0x3FA0]  }
0x30: {  	s3 =	sld [smem:$0x3FA3]  }
0x31: {  	[smem:$0x3FAC] =	sst s10  }
0x32: {  	s10 =	sld [smem:$0x3FAA];
	_ =	sdelay $0x3  }
0x33: {  	p0 =	seq.s32 s10, $0x1;
	s10 =	sld [smem:$0x3FAC];
	_ =	sdelay $0x3  }
0x34: {  	[smem:$0x3FAC] =	sst s10  }
0x35: {  	s10 =	sld [smem:$0x3FAB];
	_ =	sdelay $0x3  }
0x36: {  	p1 =	seq.s32 s10, $0x1;
	s10 =	sld [smem:$0x3FAC];
	_ =	sdelay $0x3  }
0x37: {  	[smem:$0x3FAC] =	sst s10  }
0x38: {  	s10 =	sld [smem:$0x3FAD]  }
0x39: {  	_ = 	snop;
	(pc) =	sbr.ind lr, $3  }
0x3a: {  	_ = 	snop  }
0x3b: {  	_ = 	snop  }
0x3c: {  	p2 =	seq.s32 s10, $0x1;
	s10 =	sld [smem:$0x3FAC]  }
0x3d: {  	_ =	shalt  }
0x3e: {  	_ =	shalt  }
0x3f: {  	_ =	shalt  }
0x40: {  	_ =	shalt  }
0x41: {  	_ =	shalt  }
0x42: {  	_ =	shalt  }
0x43: {  	_ =	shalt  }
0x44: {  	_ =	shalt  }
0x45: {  	_ =	shalt  }
0x46: {  	_ =	shalt  }
0x47: {  	_ =	shalt  }
0x48: {  	_ =	shalt  }
0x49: {  	_ =	shalt  }
0x4a: {  	_ =	shalt  }
0x4b: {  	_ =	shalt  }
0x4c: {  	_ =	shalt  }
0x4d: {  	_ =	shalt  }
0x4e: {  	_ =	shalt  }
0x4f: {  	_ =	shalt  }
0x50: {  	_ =	shalt  }
0x51: {  	_ =	shalt  }
0x52: {  	_ =	shalt  }
0x53: {  	_ =	shalt  }
0x54: {  	_ =	shalt  }
0x55: {  	_ =	shalt  }
0x56: {  	_ =	shalt  }
0x57: {  	_ =	shalt  }
0x58: {  	_ =	shalt  }
0x59: {  	_ =	shalt  }
0x5a: {  	_ =	shalt  }
0x5b: {  	_ =	shalt  }
0x5c: {  	_ =	shalt  }
0x5d: {  	_ =	shalt  }
0x5e: {  	_ =	shalt  }
0x5f: {  	_ =	shalt  }
0x60: {  	_ =	shalt  }
0x61: {  	_ =	shalt  }
0x62: {  	_ =	shalt  }
0x63: {  	_ =	shalt  }
0x64: {  	_ =	shalt  }
0x65: {  	_ =	shalt  }
0x66: {  	_ =	shalt  }
0x67: {  	_ =	shalt  }
0x68: {  	_ =	shalt  }
0x69: {  	_ =	shalt  }
0x6a: {  	_ =	shalt  }
0x6b: {  	_ =	shalt  }
0x6c: {  	_ =	shalt  }
0x6d: {  	_ =	shalt  }
0x6e: {  	_ =	shalt  }
0x6f: {  	_ =	shalt  }
0x70: {  	_ =	shalt  }
0x71: {  	_ =	shalt  }
0x72: {  	_ =	shalt  }
0x73: {  	_ =	shalt  }
0x74: {  	_ =	shalt  }
0x75: {  	_ =	shalt  }
0x76: {  	_ =	shalt  }
0x77: {  	_ =	shalt  }
0x78: {  	_ =	shalt  }
0x79: {  	_ =	shalt  }
0x7a: {  	_ =	shalt  }
0x7b: {  	_ =	shalt  }
0x7c: {  	_ =	shalt  }
0x7d: {  	_ =	shalt  }
0x7e: {  	_ =	shalt  }
0x7f: {  	_ =	shalt  }
0x80: {  	_ =	shalt  }
0x81: {  	_ =	shalt  }
0x82: {  	_ =	shalt  }
0x83: {  	_ =	shalt  }
0x84: {  	_ =	shalt  }
0x85: {  	_ =	shalt  }
0x86: {  	_ =	shalt  }
0x87: {  	_ =	shalt  }
.Lfunc_end0:
.L_simem_size_0:
called_computation.1_lowered:
.L_overlay_start_0:
0x88: {  	s2 =	sld [smem:$0x3FD9]  }
0x89: {  	s3 =	sld [smem:$0x3FFE];
	_ =	sdelay $0x1  }
0x8a: {  	s1 =	srdreg.scid  }
0x8b: {  	s0 =	sand.u32 $0x1, s1  }
0x8c: {  	s16 =	sshll.u32 s0, $0xA;
	s2 =	sadd.s32 s3, s2  }
0x8d: {  	s2 =	sadd.s32 s2, s16  }
0x8e: {  	[smem:$0x3FB8] =	sst s2  }
0x8f: {  	_ = 	snop  }
0x90: {  	(tm) =	ssettm $0x1  }
0x91: {  	s17 =	sld [smem:$0x3FFB];
	_ =	sdelay $0x3  }
0x92: {  	_ =	strace s17  }
0x93: {  	s2 =	sld [smem:$0x3FFC];
	_ =	sdelay $0x3  }
0x94: {  	_ =	strace s2  }
0x95: {  	s2 =	sld [smem:$0x3FFD];
	_ =	sdelay $0x3  }
0x96: {  	_ =	strace s2  }
0x97: {  	_ =	strace $0x8FFFFFFF  }
0x98: {  	s18 =	sld [smem:$0x3FDB];
	_ =	sdelay $0x1  }
0x99: {  	s19 =	simm.s32 $_scs_section_size  }
0x9a: {  	s4 =	simm.s32 $_size__tile_overlayer_lowered;
	s5 =	simm.s32 $_tile_overlayer_lowered  }
0x9b: {  	s22 =	simm.s32 $0x1BFF;
	s21 =	sshll.u32 s5, $0x1;
	s2 =	sadd.s32 s19, s18  }
0x9c: {  	s6 =	simm.s32 $0x0;
	s20 =	sshll.u32 s4, $0x1;
	s4 =	sadd.s32 s21, s2  }
0x9d: {  	[timem:s6], [sflag:s22] =	dma.local [hbm:s4], s20  }
0x9e: {  	_ =	swait.ge [sflag:s22], s20  }
0x9f: {  	s3 =	ssub.s32 $0x0, s20;
	[sflag:s22] =	ssyncset.done $0x0  }
0xa0: {  	[sflag:s22] =	ssyncadd.s32 s3;
	_ =	sdelay $0x1  }
0xa1: {  	s23 =	simm.s32 $0x1B8B  }
0xa2: {  	_ =	swait.ge [sflag:s23], $0x1  }
0xa3: {  	[sflag:s23] =	ssyncset.done $0x0  }
0xa4: {  	s25 =	simm.s32 $0x1B8E;
	s24 =	sld [smem:$0x3FFE];
	[sflag:s23] =	ssyncadd.s32 $0xFFFFFFFF  }
0xa5: {  	s26 =	simm.s32 $execute0_lowered;
	[smem:$0x3FD2] =	sst s25  }
0xa6: {  	s4 =	sshll.u32 s26, $0x1;
	_ =	strace $0x80000049;
	[dreg:$0x1] =	wrdreg $0xFFFFFFFF  }
0xa7: {  	s28 =	simm.s32 $_size_execute0_lowered;
	s2 =	sadd.s32 s2, s4;
	[dreg:$0x0] =	wrdreg $0x0  }
0xa8: {  	s4 =	sshll.u32 s28, $0x1;
	[dreg:$0x2] =	wrdreg s2  }
0xa9: {  	[dreg:$0x3] =	wrdreg s4  }
0xaa: {  	[dreg:$0x4] =	wrdreg $0xC0  }
0xab: {  	_ =	task [dreg:s6], $0x5FFFF  }
0xac: {  	[dreg:$0x1] =	wrdreg $0xFFFFFFFF  }
0xad: {  	[dreg:$0x0] =	wrdreg $0x60  }
0xae: {  	[dreg:$0x2] =	wrdreg s24  }
0xaf: {  	[dreg:$0x3] =	wrdreg $0xCF000  }
0xb0: {  	[dreg:$0x4] =	wrdreg $0x9  }
0xb1: {  	_ =	task.clear_ibuf [dreg:s6], $0x5FFFF;
	_ =	strace $0x90000049  }
0xb2: {  	s29 =	simm.s32 $0x9;
	_ =	strace $0x8000004B  }
0xb3: {  	_ =	swait.ge [sflag:s29], $0x1  }
0xb4: {  	[sflag:s29] =	ssyncadd.s32 $0xFFFFFFFF  }
0xb5: {  	_ =	strace $0x9000004B  }
0xb6: {  	_ =	sfence  }
0xb7: {  	s30 =	sld [smem:$0x0];
	_ =	sdelay $0x2  }
0xb8: {  	s31 =	sshll.u32 s1, $0xD;
	s1 =	sshrl.u32 s1, $0x2  }
0xb9: {  	s3 =	sand.u32 $0x4000, s31;
	s1 =	sadd.s32 s1, s30  }
0xba: {  	s0 =	sor.u32 s3, s0;
	s1 =	sshll.u32 s1, $0x11  }
0xbb: {  	s0 =	sor.u32 s1, s0  }
0xbc: {  	s0 =	sadd.s32 $0x8F2B, s0  }
0xbd: {  	[sflag:s0] =	ssyncadd.remote.s32 $0x1  }
0xbe: {  	_ =	sfence.sel $0xFFFF  }
0xbf: {  	[dreg:$0x0] =	wrdreg $0xFFFFFFFF;
	(pc) =	sbr.abs _section_cstart, $3  }
0xc0: {  	[dreg:$0x1] =	wrdreg $0xFFFFFFFF  }
0xc1: {  	_ =	task.clear_ibuf [dreg:s6], $0x2FFFF;
	_ =	strace $0x9FFFFFFF  }
0xc2: {  	(tm) =	ssettm $0x7FFFFFFF  }
0xc3: {  	_ =	shalt  }
tec
execute0_lowered:
.L_overlay_start_1:
0x0: {  	(tag) =	ssettag $0x1  }
0x1: {  	s6 =	rddreg [dreg:$0x0]  }
0x2: {  	s0 =	srdreg.scid;
	s2 =	rddreg [dreg:$0x1]  }
0x3: {  	s3 =	simm.s32 $0x0;
	s14 =	simm.s32 $0x200;
	s15 =	simm.s32 $0x4F00  }
0x4: {  	s16 =	simm.s32 $0x1;
	s17 =	simm.s32 $0x180;
	s18 =	simm.s32 $0x2600  }
0x5: {  	s19 =	simm.s32 $0x4D80;
	s5 =	sand.u32 $0x1, s0;
	s0 =	stileid.u32  }
0x6: {  	s20 =	simm.s32 $0x0;
	[smem:$0x7FF] =	sst s3;
	s8 =	smul.u32 $0x9E00, s0  }
0x7: {  	s4 =	sadd.s32 $0x2800, s6;
	s1 =	sshll.u32 s5, $0x4;
	s9 =	smul.u32 $0x13C0, s0  }
0x8: {  	s10 =	smul.u32 $0x13C00, s5;
	s5 =	ssub.s32 $0x2, s5;
	s12 =	sshll.u32 s0, $0x6  }
0x9: {  	s1 =	sor.u32 s0, s1;
	s31 =	sshrl.u32 s5, $0x1;
	s12 =	sor.u32 $0x1C02, s12  }
0xa: {  	s7 =	smul.u32 $0x4F0, s1;
	s1 =	rddreg [dreg:$0x2];
	_ =	strace $0x8000004A  }
0xb: {  	s11 =	sshrl.u32 s8, $0x3;
	s9 =	sadd.s32 s9, s10;
	s10 =	ssub.s32 s5, s31  }
0xc: {  	s13 =	sadd.s32 s8, s2;
	s11 =	sadd.s32 s11, s6;
	s9 =	sadd.s32 s9, s6  }
0xd: {  	s13 =	sshrl.u32 s13, $0x3;
	s7 =	sadd.s32 s7, s6;
	s8 =	sadd.s32 $0x42C00, s9  }
0xe: {  	s9 =	smax.u32 s10, $0x1;
	s10 =	simm.s32 $0x2;
	s5 =	sadd.s32 $0x38E00, s7  }
0xf: {  	s6 =	sadd.s32 $0x2F000, s7;
	s7 =	sadd.s32 $0x16400, s11;
	s11 =	simm.s32 $0x2780  }
.LBB2_1:
0x10: {  	[tilespmem:s3], [sflag:$0x2] =	stream.linear.gather [hbm4b:s5+s3], $0x2780, $0x38;
	[tilespmem:$0x16D00] =	vst v63  }
0x11: {  	_ =	swait.ge [sflag:s10], $0x2780  }
0x12: {  	[sflag:s10] =	ssyncset.done $0x0  }
0x13: {  	[sflag:s10] =	ssyncadd.s32 $0xFFFFD880  }
0x14: {  	[tilespmem:s11], [sflag:$0x2] =	stream.linear.gather [hbm4b:s6+s3], $0x2780, $0x38;
	[tilespmem:$0x16D00] =	vst v63  }
0x15: {  	_ =	swait.ge [sflag:s10], $0x2780  }
0x16: {  	[sflag:s10] =	ssyncset.done $0x0  }
0x17: {  	[sflag:s10] =	ssyncadd.s32 $0xFFFFD880  }
0x18: {  	[spmem:s13], [sflag:s12] =	dma.local [hbm:s7], $0x13C0  }
0x19: {  	_ =	swait.ge [sflag:s10], $0x13C0  }
0x1a: {  	[sflag:s10] =	ssyncset.done $0x0  }
0x1b: {  	[sflag:s10] =	ssyncadd.s32 $0xFFFFEC40  }
0x1c: {  	s21 =	simm.s32 $0x0;
	[bflag:$0x0] =	sbarrier.arrive $0xFFFF  }
0x1d: {  	[tilespmem:s15], [sflag:$0x1] =	stream.indirect.gather [hbm4b:s4+s14], $0x40, s21, s14, $0xb8;
	[tilespmem:$0x16D00] =	vst v63  }
0x1e: {  	_ =	swait.ge [sflag:s16], $0x8000  }
0x1f: {  	[sflag:s16] =	ssyncset.done $0x0  }
0x20: {  	s31 =	simm.s32 $0x2780;
	[sflag:s16] =	ssyncadd.s32 $0xFFFF8000  }
0x21: {  	[spmem:s2] =	stream.indirect.scatter.add.f32 [tilespmem:s15], [sflag:$0x2], $0x40, s31, s14, $0xb8;
	[tilespmem:$0x16D00] =	vst v63  }
0x22: {  	_ =	swait.ge [sflag:s10], $0x8000  }
0x23: {  	s22 =	simm.s32 $0x1000;
	s21 =	simm.s32 $0x800;
	[sflag:s10] =	ssyncset.done $0x0  }
.LBB2_2:
0x24: {  	s23 =	sshra.s32 s21, $0x2  }
0x25: {  	[sflag:s10] =	ssyncadd.s32 $0xFFFF8000;
	s21 =	smov.u32 s22;
	s24 =	sadd.s32 $0x800, s22  }
0x26: {  	[tilespmem:s15], [sflag:$0x1] =	stream.indirect.gather [hbm4b:s4+s14], $0x40, s23, s14, $0xb8;
	[tilespmem:$0x16D00] =	vst v63  }
0x27: {  	p0 =	sne.s32 s22, $0x9000;
	_ =	swait.ge [sflag:s16], $0x8000  }
.Ltmp0:
0x28: {  	[sflag:s16] =	ssyncset.done $0x0;
	(pc) =	sbr.rel @p0 .LBB2_2-.Ltmp0, $4  }
0x29: {  	s22 =	sadd.s32 $0x2780, s23;
	[sflag:s16] =	ssyncadd.s32 $0xFFFF8000  }
0x2a: {  	[spmem:s2] =	stream.indirect.scatter.add.f32 [tilespmem:s15], [sflag:$0x2], $0x40, s22, s14, $0xb8;
	[tilespmem:$0x16D00] =	vst v63  }
0x2b: {  	_ =	swait.ge [sflag:s10], $0x8000  }
0x2c: {  	s22 =	smov.u32 s24;
	[sflag:s10] =	ssyncset.done $0x0  }
0x2d: {  	s21 =	sshra.s32 s21, $0x2;
	[sflag:s10] =	ssyncadd.s32 $0xFFFF8000  }
0x2e: {  	[tilespmem:s15], [sflag:$0x1] =	stream.indirect.gather [hbm4b:s4+s14], $0x40, s21, s14, $0xb8;
	[tilespmem:$0x16D00] =	vst v63  }
0x2f: {  	_ =	swait.ge [sflag:s16], $0x8000  }
0x30: {  	[sflag:s16] =	ssyncset.done $0x0  }
0x31: {  	s21 =	sadd.s32 $0x2780, s21;
	[sflag:s16] =	ssyncadd.s32 $0xFFFF8000  }
0x32: {  	[spmem:s2] =	stream.indirect.scatter.add.f32 [tilespmem:s15], [sflag:$0x2], $0x40, s21, s14, $0xb8;
	[tilespmem:$0x16D00] =	vst v63  }
0x33: {  	_ =	swait.ge [sflag:s10], $0x8000  }
0x34: {  	[sflag:s10] =	ssyncset.done $0x0  }
0x35: {  	[sflag:s10] =	ssyncadd.s32 $0xFFFF8000  }
0x36: {  	[tilespmem:s15], [sflag:$0x1] =	stream.indirect.gather [hbm4b:s4+s17], $0x40, s18, s17, $0xb8;
	[tilespmem:$0x16D00] =	vst v63  }
0x37: {  	_ =	swait.ge [sflag:s16], $0x6000  }
0x38: {  	[sflag:s16] =	ssyncset.done $0x0  }
0x39: {  	[sflag:s16] =	ssyncadd.s32 $0xFFFFA000  }
0x3a: {  	[spmem:s2] =	stream.indirect.scatter.add.f32 [tilespmem:s15], [sflag:$0x2], $0x40, s19, s17, $0xb8;
	[tilespmem:$0x16D00] =	vst v63  }
0x3b: {  	_ =	swait.ge [sflag:s10], $0x6000  }
0x3c: {  	s20 =	sadd.s32 $0x1, s20;
	[sflag:s10] =	ssyncset.done $0x0  }
0x3d: {  	p0 =	sne.s32 s20, s9;
	[sflag:s10] =	ssyncadd.s32 $0xFFFFA000  }
.Ltmp1:
0x3e: {  	[bflag:$0x0] =	sbarrier.arrive $0xFFFF;
	(pc) =	sbr.rel @p0 .LBB2_1-.Ltmp1, $4  }
0x3f: {  	[hbm:s8], [sflag:s12] =	dma.local [spmem:s13], $0x13C0  }
0x40: {  	_ =	swait.ge [sflag:s10], $0x13C0  }
0x41: {  	[sflag:s10] =	ssyncset.done $0x0  }
0x42: {  	[sflag:s10] =	ssyncadd.s32 $0xFFFFEC40  }
0x43: {  	_ =	sfence.sel $0x180000  }
0x44: {  	[bflag:$0x0] =	sbarrier.arrive $0xFFFF  }
0x45: {  	p0 =	sne.s32 s0, $0x0;
	_ =	strace $0x9000004A  }
0x46: {  	s0 =	sadd.s32 @!p0 $0x100000, s1;
	[bflag:$0x2] =	sbarrier.arrive $0xFFFF  }
0x47: {  	[sflag:s0] =	ssyncadd.tile.s32 @!p0 $0x1;
	_ =	shalt  }
.Lfunc_end2:
_tile_overlayer_lowered:
.L_overlay_start_2:
0x48: {  	(tag) =	ssettag $0x2  }
0x49: {  	s0 =	rddreg [dreg:$0x0];
	s2 =	stileid.u32  }
0x4a: {  	s1 =	rddreg [dreg:$0x1];
	p0 =	sne.s32 s2, $0x0  }
0x4b: {  	s3 =	rddreg [dreg:$0x2];
	[bflag:$0x3] =	sbarrier.arrive $0xFFFF;
	s2 =	simm.s32 @!p0 $0x1C02  }
0x4c: {  	[timem:s3], [sflag:s2] =	dma.local @!p0 [hbm:s0], s1  }
0x4d: {  	s0 =	simm.s32 @!p0 $0x2  }
0x4e: {  	_ =	swait.ge @!p0 [sflag:s0], s1  }
0x4f: {  	s1 =	ssub.s32 @!p0 $0x0, s1;
	[sflag:s0] =	ssyncset.done @!p0 $0x0  }
0x50: {  	[sflag:s0] =	ssyncadd.s32 @!p0 s1  }
0x51: {  	[bflag:$0x3] =	sbarrier.arrive $0xFFFF  }
0x52: {  	_ =	shalt  }

// kernel: kernel.15.cloned.1.call-start
scs
__scs_entry_jumppad:
0x0: {  	(pc) =	sbr.rel $0x88, $3  }
0x1: {  	(tag) =	ssettag $0x0;
	lr =	simm.s32 $0x1  }
0x2: {  	[smem:$0x3F91] =	sst lr;
	_ =	strace $0xD0000000  }
0x3: {  	_ = 	snop  }
0x4: {  	_ = 	snop  }
0x5: {  	_ = 	snop  }
0x6: {  	_ = 	snop  }
0x7: {  	_ = 	snop  }
__scs_overlays_trampoline_lowered:
0x8: {  	[smem:$0x3FA0] =	sst s0  }
0x9: {  	[smem:$0x3FA1] =	sst s1  }
0xa: {  	[smem:$0x3FA2] =	sst s2  }
0xb: {  	[smem:$0x3FA3] =	sst s3  }
0xc: {  	[smem:$0x3FA4] =	sst s4  }
0xd: {  	[smem:$0x3FA5] =	sst s5  }
0xe: {  	[smem:$0x3FA6] =	sst s6  }
0xf: {  	[smem:$0x3FA7] =	sst s7  }
0x10: {  	[smem:$0x3FA8] =	sst s8  }
0x11: {  	[smem:$0x3FA9] =	sst s9;
	s0 =	simm.s32 @!p0 $0x0  }
0x12: {  	s1 =	sld [smem:$0x3F8F];
	s0 =	simm.s32 @p0 $0x1  }
0x13: {  	[smem:$0x3FAA] =	sst s0;
	s0 =	simm.s32 @!p1 $0x0  }
0x14: {  	s2 =	sld [smem:$0x3F8E];
	s0 =	simm.s32 @p1 $0x1  }
0x15: {  	[smem:$0x3FAB] =	sst s0;
	s0 =	simm.s32 @!p2 $0x0  }
0x16: {  	s3 =	sld [smem:$0x3FDB];
	s0 =	simm.s32 @p2 $0x1  }
0x17: {  	s4 =	simm.s32 $0x1BF5;
	[smem:$0x3FAD] =	sst s0  }
0x18: {  	s0 =	sld [smem:$0x3F90];
	_ =	swait.ge [sflag:s4], $0x0  }
0x19: {  	s7 =	sld [smem:$0x3F91]  }
0x1a: {  	s8 =	sadd.s32 $0xFFFFE003, lr  }
0x1b: {  	s9 =	sadd.s32 $0xFFFFFEF7, lr;
	s5 =	simm.s32 $0xFFFFFFFF;
	p2 =	slt.u32 s8, $0xFFFFF086  }
0x1c: {  	p1 =	slt.u32 s9, $0xF7A;
	s5 =	simm.s32 @!p2 $0x0  }
0x1d: {  	s5 =	simm.s32 @p1 $0x1;
	p0 =	seq.s32 s7, s2  }
0x1e: {  	s7 =	smul.u32 @!p0 $0xF7A, s2;
	p2 =	seq.s32 @!p0 s5, $0x0  }
0x1f: {  	s9 =	smul.u32 $0xF7A, s1;
	s8 =	simm.s32 @!p0 $0x1BF5;
	p2 =	por !p2, p0  }
0x20: {  	[sflag:s8] =	ssyncset.s32 @!p0 $0xFFFFF086;
	s6 =	sadd.s32 @!p0 s3, s7;
	s7 =	simm.s32 @!p0 $0x108  }
0x21: {  	s3 =	sadd.s32 s3, s9;
	s6 =	sadd.s32 @!p0 $0x88, s6;
	s7 =	simm.s32 @p2 $0x1082  }
0x22: {  	[simem:s7], [sflag:s8] =	dma.local @!p0 [hbm:s6], $0xF7A  }
0x23: {  	s9 =	sor.u32 $0xD0000000, s2;
	s6 =	simm.s32 $0x108;
	_ =	swait.ge @!p0 [sflag:s8], $0x0  }
0x24: {  	s3 =	sadd.s32 $0x88, s3;
	s6 =	simm.s32 @!p1 $0x1082;
	[sflag:s4] =	ssyncset.s32 $0xFFFFF086  }
0x25: {  	[simem:s6], [sflag:s4] =	dma.local [hbm:s3], $0xF7A  }
0x26: {  	[smem:$0x3F91] =	sst s1;
	(tag) =	ssettag s2;
	_ =	strace s9  }
0x27: {  	s1 =	sld [smem:$0x3FA1]  }
0x28: {  	s2 =	sld [smem:$0x3FA2]  }
0x29: {  	s4 =	sld [smem:$0x3FA4]  }
0x2a: {  	p0 =	seq.s32 s5, $0x0;
	s5 =	sld [smem:$0x3FA5]  }
0x2b: {  	s6 =	sld [smem:$0x3FA6]  }
0x2c: {  	s7 =	sld [smem:$0x3FA7]  }
0x2d: {  	s3 =	simm.s32 $0x108;
	s8 =	sld [smem:$0x3FA8]  }
0x2e: {  	s3 =	simm.s32 @!p0 $0x1082;
	s9 =	sld [smem:$0x3FA9]  }
0x2f: {  	lr =	sadd.s32 s0, s3;
	s0 =	sld [smem:$0x3FA0]  }
0x30: {  	s3 =	sld [smem:$0x3FA3]  }
0x31: {  	[smem:$0x3FAC] =	sst s10  }
0x32: {  	s10 =	sld [smem:$0x3FAA];
	_ =	sdelay $0x3  }
0x33: {  	p0 =	seq.s32 s10, $0x1;
	s10 =	sld [smem:$0x3FAC];
	_ =	sdelay $0x3  }
0x34: {  	[smem:$0x3FAC] =	sst s10  }
0x35: {  	s10 =	sld [smem:$0x3FAB];
	_ =	sdelay $0x3  }
0x36: {  	p1 =	seq.s32 s10, $0x1;
	s10 =	sld [smem:$0x3FAC];
	_ =	sdelay $0x3  }
0x37: {  	[smem:$0x3FAC] =	sst s10  }
0x38: {  	s10 =	sld [smem:$0x3FAD]  }
0x39: {  	_ = 	snop;
	(pc) =	sbr.ind lr, $3  }
0x3a: {  	_ = 	snop  }
0x3b: {  	_ = 	snop  }
0x3c: {  	p2 =	seq.s32 s10, $0x1;
	s10 =	sld [smem:$0x3FAC]  }
0x3d: {  	_ =	shalt  }
0x3e: {  	_ =	shalt  }
0x3f: {  	_ =	shalt  }
0x40: {  	_ =	shalt  }
0x41: {  	_ =	shalt  }
0x42: {  	_ =	shalt  }
0x43: {  	_ =	shalt  }
0x44: {  	_ =	shalt  }
0x45: {  	_ =	shalt  }
0x46: {  	_ =	shalt  }
0x47: {  	_ =	shalt  }
0x48: {  	_ =	shalt  }
0x49: {  	_ =	shalt  }
0x4a: {  	_ =	shalt  }
0x4b: {  	_ =	shalt  }
0x4c: {  	_ =	shalt  }
0x4d: {  	_ =	shalt  }
0x4e: {  	_ =	shalt  }
0x4f: {  	_ =	shalt  }
0x50: {  	_ =	shalt  }
0x51: {  	_ =	shalt  }
0x52: {  	_ =	shalt  }
0x53: {  	_ =	shalt  }
0x54: {  	_ =	shalt  }
0x55: {  	_ =	shalt  }
0x56: {  	_ =	shalt  }
0x57: {  	_ =	shalt  }
0x58: {  	_ =	shalt  }
0x59: {  	_ =	shalt  }
0x5a: {  	_ =	shalt  }
0x5b: {  	_ =	shalt  }
0x5c: {  	_ =	shalt  }
0x5d: {  	_ =	shalt  }
0x5e: {  	_ =	shalt  }
0x5f: {  	_ =	shalt  }
0x60: {  	_ =	shalt  }
0x61: {  	_ =	shalt  }
0x62: {  	_ =	shalt  }
0x63: {  	_ =	shalt  }
0x64: {  	_ =	shalt  }
0x65: {  	_ =	shalt  }
0x66: {  	_ =	shalt  }
0x67: {  	_ =	shalt  }
0x68: {  	_ =	shalt  }
0x69: {  	_ =	shalt  }
0x6a: {  	_ =	shalt  }
0x6b: {  	_ =	shalt  }
0x6c: {  	_ =	shalt  }
0x6d: {  	_ =	shalt  }
0x6e: {  	_ =	shalt  }
0x6f: {  	_ =	shalt  }
0x70: {  	_ =	shalt  }
0x71: {  	_ =	shalt  }
0x72: {  	_ =	shalt  }
0x73: {  	_ =	shalt  }
0x74: {  	_ =	shalt  }
0x75: {  	_ =	shalt  }
0x76: {  	_ =	shalt  }
0x77: {  	_ =	shalt  }
0x78: {  	_ =	shalt  }
0x79: {  	_ =	shalt  }
0x7a: {  	_ =	shalt  }
0x7b: {  	_ =	shalt  }
0x7c: {  	_ =	shalt  }
0x7d: {  	_ =	shalt  }
0x7e: {  	_ =	shalt  }
0x7f: {  	_ =	shalt  }
0x80: {  	_ =	shalt  }
0x81: {  	_ =	shalt  }
0x82: {  	_ =	shalt  }
0x83: {  	_ =	shalt  }
0x84: {  	_ =	shalt  }
0x85: {  	_ =	shalt  }
0x86: {  	_ =	shalt  }
0x87: {  	_ =	shalt  }
.Lfunc_end0:
.L_simem_size_0:
called_computation.2_lowered:
.L_overlay_start_0:
0x88: {  	s2 =	sld [smem:$0x3FD9]  }
0x89: {  	s3 =	sld [smem:$0x3FFE];
	_ =	sdelay $0x1  }
0x8a: {  	s1 =	srdreg.scid  }
0x8b: {  	s0 =	sand.u32 $0x1, s1  }
0x8c: {  	s16 =	sshll.u32 s0, $0xA;
	s2 =	sadd.s32 s3, s2  }
0x8d: {  	s2 =	sadd.s32 s2, s16  }
0x8e: {  	[smem:$0x3FB8] =	sst s2  }
0x8f: {  	_ = 	snop  }
0x90: {  	(tm) =	ssettm $0x1  }
0x91: {  	s17 =	sld [smem:$0x3FFB];
	_ =	sdelay $0x3  }
0x92: {  	_ =	strace s17  }
0x93: {  	s2 =	sld [smem:$0x3FFC];
	_ =	sdelay $0x3  }
0x94: {  	_ =	strace s2  }
0x95: {  	s2 =	sld [smem:$0x3FFD];
	_ =	sdelay $0x3  }
0x96: {  	_ =	strace s2  }
0x97: {  	_ =	strace $0x8FFFFFFF  }
0x98: {  	s18 =	sld [smem:$0x3FDB];
	_ =	sdelay $0x1  }
0x99: {  	s19 =	simm.s32 $_scs_section_size  }
0x9a: {  	s4 =	simm.s32 $_size__tile_overlayer_lowered;
	s5 =	simm.s32 $_tile_overlayer_lowered  }
0x9b: {  	s22 =	simm.s32 $0x1BFF;
	s21 =	sshll.u32 s5, $0x1;
	s2 =	sadd.s32 s19, s18  }
0x9c: {  	s6 =	simm.s32 $0x0;
	s20 =	sshll.u32 s4, $0x1;
	s4 =	sadd.s32 s21, s2  }
0x9d: {  	[timem:s6], [sflag:s22] =	dma.local [hbm:s4], s20  }
0x9e: {  	_ =	swait.ge [sflag:s22], s20  }
0x9f: {  	s3 =	ssub.s32 $0x0, s20;
	[sflag:s22] =	ssyncset.done $0x0  }
0xa0: {  	[sflag:s22] =	ssyncadd.s32 s3;
	_ =	sdelay $0x1  }
0xa1: {  	s23 =	simm.s32 $0x1B8B  }
0xa2: {  	_ =	swait.ge [sflag:s23], $0x1  }
0xa3: {  	[sflag:s23] =	ssyncset.done $0x0  }
0xa4: {  	s25 =	simm.s32 $0x1B8E;
	s24 =	sld [smem:$0x3FFE];
	[sflag:s23] =	ssyncadd.s32 $0xFFFFFFFF  }
0xa5: {  	s26 =	simm.s32 $execute0_lowered;
	[smem:$0x3FD2] =	sst s25  }
0xa6: {  	s4 =	sshll.u32 s26, $0x1;
	_ =	strace $0x8000004C;
	[dreg:$0x1] =	wrdreg $0xFFFFFFFF  }
0xa7: {  	s28 =	simm.s32 $_size_execute0_lowered;
	s2 =	sadd.s32 s2, s4;
	[dreg:$0x0] =	wrdreg $0x0  }
0xa8: {  	s4 =	sshll.u32 s28, $0x1;
	[dreg:$0x2] =	wrdreg s2  }
0xa9: {  	[dreg:$0x3] =	wrdreg s4  }
0xaa: {  	[dreg:$0x4] =	wrdreg $0xC0  }
0xab: {  	_ =	task [dreg:s6], $0x5FFFF  }
0xac: {  	[dreg:$0x1] =	wrdreg $0xFFFFFFFF  }
0xad: {  	[dreg:$0x0] =	wrdreg $0x60  }
0xae: {  	[dreg:$0x2] =	wrdreg s24  }
0xaf: {  	[dreg:$0x3] =	wrdreg $0xCF000  }
0xb0: {  	[dreg:$0x4] =	wrdreg $0x9  }
0xb1: {  	_ =	task.clear_ibuf [dreg:s6], $0x5FFFF;
	_ =	strace $0x9000004C  }
0xb2: {  	s29 =	simm.s32 $0x9;
	_ =	strace $0x8000004E  }
0xb3: {  	_ =	swait.ge [sflag:s29], $0x1  }
0xb4: {  	[sflag:s29] =	ssyncadd.s32 $0xFFFFFFFF  }
0xb5: {  	_ =	strace $0x9000004E  }
0xb6: {  	_ =	sfence  }
0xb7: {  	s30 =	sld [smem:$0x0];
	_ =	sdelay $0x2  }
0xb8: {  	s31 =	sshll.u32 s1, $0xD;
	s1 =	sshrl.u32 s1, $0x2  }
0xb9: {  	s3 =	sand.u32 $0x4000, s31;
	s1 =	sadd.s32 s1, s30  }
0xba: {  	s0 =	sor.u32 s3, s0;
	s1 =	sshll.u32 s1, $0x11  }
0xbb: {  	s0 =	sor.u32 s1, s0  }
0xbc: {  	s0 =	sadd.s32 $0x8F2B, s0  }
0xbd: {  	[sflag:s0] =	ssyncadd.remote.s32 $0x1  }
0xbe: {  	_ =	sfence.sel $0xFFFF  }
0xbf: {  	[dreg:$0x0] =	wrdreg $0xFFFFFFFF;
	(pc) =	sbr.abs _section_cstart, $3  }
0xc0: {  	[dreg:$0x1] =	wrdreg $0xFFFFFFFF  }
0xc1: {  	_ =	task.clear_ibuf [dreg:s6], $0x2FFFF;
	_ =	strace $0x9FFFFFFF  }
0xc2: {  	(tm) =	ssettm $0x7FFFFFFF  }
0xc3: {  	_ =	shalt  }
tec
execute0_lowered:
.L_overlay_start_1:
0x0: {  	(tag) =	ssettag $0x1  }
0x1: {  	s0 =	srdreg.scid  }
0x2: {  	s31 =	sand.u32 $0x1, s0;
	s0 =	stileid.u32  }
0x3: {  	s2 =	sshll.u32 s31, $0x4;
	s6 =	smul.u32 $0x4F00, s0  }
0x4: {  	s3 =	sor.u32 s0, s2  }
0x5: {  	s1 =	rddreg [dreg:$0x0];
	s4 =	smul.u32 $0x4F0, s3;
	s7 =	sshrl.u32 s6, $0x3  }
0x6: {  	s2 =	rddreg [dreg:$0x1];
	s3 =	simm.s32 $0x0;
	s21 =	sadd.s32 s7, s1  }
0x7: {  	[smem:$0x7FF] =	sst s3;
	s4 =	sadd.s32 s4, s1;
	s23 =	sadd.s32 $0xC600, s21  }
0x8: {  	_ =	strace $0x8000004D;
	s5 =	sadd.s32 $0x38E00, s4;
	[dreg:$0x5] =	wrdreg s23  }
0x9: {  	s4 =	sadd.s32 $0x2F000, s4;
	[dreg:$0x3] =	wrdreg s5  }
0xa: {  	[dreg:$0x4] =	wrdreg s4  }
0xb: {  	s4 =	simm.s32 $0x2;
	s22 =	rddreg [dreg:$0x3]  }
0xc: {  	[tilespmem:s3], [sflag:$0x2] =	stream.linear.gather [hbm4b:s22+s3], $0x2780, $0x38;
	[tilespmem:$0x11E00] =	vst v63  }
0xd: {  	_ =	swait.ge [sflag:s4], $0x2780  }
0xe: {  	[sflag:s4] =	ssyncset.done $0x0  }
0xf: {  	s5 =	simm.s32 $0x2780;
	s24 =	rddreg [dreg:$0x4];
	[sflag:s4] =	ssyncadd.s32 $0xFFFFD880  }
0x10: {  	[tilespmem:s5], [sflag:$0x2] =	stream.linear.gather [hbm4b:s24+s3], $0x2780, $0x38;
	[tilespmem:$0x11E00] =	vst v63  }
0x11: {  	s26 =	sshll.u32 s0, $0x6;
	_ =	swait.ge [sflag:s4], $0x2780  }
0x12: {  	s25 =	sadd.s32 s6, s2;
	s6 =	sor.u32 $0x1C02, s26;
	[sflag:s4] =	ssyncset.done $0x0  }
0x13: {  	s7 =	sshrl.u32 s25, $0x3;
	s8 =	rddreg [dreg:$0x5];
	[sflag:s4] =	ssyncadd.s32 $0xFFFFD880  }
0x14: {  	[spmem:s7], [sflag:s6] =	dma.local [hbm:s8], $0x9E0  }
0x15: {  	_ =	swait.ge [sflag:s4], $0x9E0  }
0x16: {  	[sflag:s4] =	ssyncset.done $0x0  }
0x17: {  	s9 =	simm.s32 $0x400;
	s10 =	simm.s32 $0x4F00;
	[sflag:s4] =	ssyncadd.s32 $0xFFFFF620  }
0x18: {  	s11 =	simm.s32 $0x1;
	s8 =	sadd.s32 $0x2800, s1;
	[bflag:$0x0] =	sbarrier.arrive $0xFFFF  }
0x19: {  	[tilespmem:s10], [sflag:$0x1] =	stream.indirect.gather [hbm4b:s8+s9], $0x20, s3, s9, $0xb8;
	[tilespmem:$0x11E00] =	vst v63  }
0x1a: {  	_ =	swait.ge [sflag:s11], $0x8000  }
0x1b: {  	[sflag:s11] =	ssyncset.done $0x0  }
0x1c: {  	[sflag:s11] =	ssyncadd.s32 $0xFFFF8000  }
0x1d: {  	[spmem:s2] =	stream.indirect.scatter.add.f32 [tilespmem:s10], [sflag:$0x2], $0x20, s5, s9, $0xb8;
	[tilespmem:$0x11E00] =	vst v63  }
0x1e: {  	_ =	swait.ge [sflag:s4], $0x8000  }
0x1f: {  	[sflag:s4] =	ssyncset.done $0x0  }
0x20: {  	[sflag:s4] =	ssyncadd.s32 $0xFFFF8000  }
0x21: {  	[tilespmem:s10], [sflag:$0x1] =	stream.indirect.gather [hbm4b:s8+s9], $0x20, s9, s9, $0xb8;
	[tilespmem:$0x11E00] =	vst v63  }
0x22: {  	_ =	swait.ge [sflag:s11], $0x8000  }
0x23: {  	[sflag:s11] =	ssyncset.done $0x0  }
0x24: {  	s12 =	simm.s32 $0x2B80;
	[sflag:s11] =	ssyncadd.s32 $0xFFFF8000  }
0x25: {  	[spmem:s2] =	stream.indirect.scatter.add.f32 [tilespmem:s10], [sflag:$0x2], $0x20, s12, s9, $0xb8;
	[tilespmem:$0x11E00] =	vst v63  }
0x26: {  	_ =	swait.ge [sflag:s4], $0x8000  }
0x27: {  	[sflag:s4] =	ssyncset.done $0x0  }
0x28: {  	s13 =	simm.s32 $0x800;
	[sflag:s4] =	ssyncadd.s32 $0xFFFF8000  }
0x29: {  	[tilespmem:s10], [sflag:$0x1] =	stream.indirect.gather [hbm4b:s8+s9], $0x20, s13, s9, $0xb8;
	[tilespmem:$0x11E00] =	vst v63  }
0x2a: {  	_ =	swait.ge [sflag:s11], $0x8000  }
0x2b: {  	[sflag:s11] =	ssyncset.done $0x0  }
0x2c: {  	s14 =	simm.s32 $0x2F80;
	[sflag:s11] =	ssyncadd.s32 $0xFFFF8000  }
0x2d: {  	[spmem:s2] =	stream.indirect.scatter.add.f32 [tilespmem:s10], [sflag:$0x2], $0x20, s14, s9, $0xb8;
	[tilespmem:$0x11E00] =	vst v63  }
0x2e: {  	_ =	swait.ge [sflag:s4], $0x8000  }
0x2f: {  	[sflag:s4] =	ssyncset.done $0x0  }
0x30: {  	s15 =	simm.s32 $0xC00;
	[sflag:s4] =	ssyncadd.s32 $0xFFFF8000  }
0x31: {  	[tilespmem:s10], [sflag:$0x1] =	stream.indirect.gather [hbm4b:s8+s9], $0x20, s15, s9, $0xb8;
	[tilespmem:$0x11E00] =	vst v63  }
0x32: {  	_ =	swait.ge [sflag:s11], $0x8000  }
0x33: {  	[sflag:s11] =	ssyncset.done $0x0  }
0x34: {  	s16 =	simm.s32 $0x3380;
	[sflag:s11] =	ssyncadd.s32 $0xFFFF8000  }
0x35: {  	[spmem:s2] =	stream.indirect.scatter.add.f32 [tilespmem:s10], [sflag:$0x2], $0x20, s16, s9, $0xb8;
	[tilespmem:$0x11E00] =	vst v63  }
0x36: {  	_ =	swait.ge [sflag:s4], $0x8000  }
0x37: {  	[sflag:s4] =	ssyncset.done $0x0  }
0x38: {  	s17 =	simm.s32 $0x1000;
	[sflag:s4] =	ssyncadd.s32 $0xFFFF8000  }
0x39: {  	[tilespmem:s10], [sflag:$0x1] =	stream.indirect.gather [hbm4b:s8+s9], $0x20, s17, s9, $0xb8;
	[tilespmem:$0x11E00] =	vst v63  }
0x3a: {  	_ =	swait.ge [sflag:s11], $0x8000  }
0x3b: {  	[sflag:s11] =	ssyncset.done $0x0  }
0x3c: {  	s18 =	simm.s32 $0x3780;
	[sflag:s11] =	ssyncadd.s32 $0xFFFF8000  }
0x3d: {  	[spmem:s2] =	stream.indirect.scatter.add.f32 [tilespmem:s10], [sflag:$0x2], $0x20, s18, s9, $0xb8;
	[tilespmem:$0x11E00] =	vst v63  }
0x3e: {  	_ =	swait.ge [sflag:s4], $0x8000  }
0x3f: {  	[sflag:s4] =	ssyncset.done $0x0  }
0x40: {  	s19 =	simm.s32 $0x1400;
	[sflag:s4] =	ssyncadd.s32 $0xFFFF8000  }
0x41: {  	[tilespmem:s10], [sflag:$0x1] =	stream.indirect.gather [hbm4b:s8+s9], $0x20, s19, s9, $0xb8;
	[tilespmem:$0x11E00] =	vst v63  }
0x42: {  	_ =	swait.ge [sflag:s11], $0x8000  }
0x43: {  	[sflag:s11] =	ssyncset.done $0x0  }
0x44: {  	s20 =	simm.s32 $0x3B80;
	[sflag:s11] =	ssyncadd.s32 $0xFFFF8000  }
0x45: {  	[spmem:s2] =	stream.indirect.scatter.add.f32 [tilespmem:s10], [sflag:$0x2], $0x20, s20, s9, $0xb8;
	[tilespmem:$0x11E00] =	vst v63  }
0x46: {  	_ =	swait.ge [sflag:s4], $0x8000  }
0x47: {  	[sflag:s4] =	ssyncset.done $0x0  }
0x48: {  	s21 =	simm.s32 $0x1800;
	[sflag:s4] =	ssyncadd.s32 $0xFFFF8000  }
0x49: {  	[tilespmem:s10], [sflag:$0x1] =	stream.indirect.gather [hbm4b:s8+s9], $0x20, s21, s9, $0xb8;
	[tilespmem:$0x11E00] =	vst v63  }
0x4a: {  	_ =	swait.ge [sflag:s11], $0x8000  }
0x4b: {  	[sflag:s11] =	ssyncset.done $0x0  }
0x4c: {  	s22 =	simm.s32 $0x3F80;
	[sflag:s11] =	ssyncadd.s32 $0xFFFF8000  }
0x4d: {  	[spmem:s2] =	stream.indirect.scatter.add.f32 [tilespmem:s10], [sflag:$0x2], $0x20, s22, s9, $0xb8;
	[tilespmem:$0x11E00] =	vst v63  }
0x4e: {  	_ =	swait.ge [sflag:s4], $0x8000  }
0x4f: {  	[sflag:s4] =	ssyncset.done $0x0  }
0x50: {  	s23 =	simm.s32 $0x1C00;
	[sflag:s4] =	ssyncadd.s32 $0xFFFF8000  }
0x51: {  	[tilespmem:s10], [sflag:$0x1] =	stream.indirect.gather [hbm4b:s8+s9], $0x20, s23, s9, $0xb8;
	[tilespmem:$0x11E00] =	vst v63  }
0x52: {  	_ =	swait.ge [sflag:s11], $0x8000  }
0x53: {  	[sflag:s11] =	ssyncset.done $0x0  }
0x54: {  	s24 =	simm.s32 $0x4380;
	[sflag:s11] =	ssyncadd.s32 $0xFFFF8000  }
0x55: {  	[spmem:s2] =	stream.indirect.scatter.add.f32 [tilespmem:s10], [sflag:$0x2], $0x20, s24, s9, $0xb8;
	[tilespmem:$0x11E00] =	vst v63  }
0x56: {  	_ =	swait.ge [sflag:s4], $0x8000  }
0x57: {  	[sflag:s4] =	ssyncset.done $0x0  }
0x58: {  	s25 =	simm.s32 $0x2000;
	[sflag:s4] =	ssyncadd.s32 $0xFFFF8000  }
0x59: {  	[tilespmem:s10], [sflag:$0x1] =	stream.indirect.gather [hbm4b:s8+s9], $0x20, s25, s9, $0xb8;
	[tilespmem:$0x11E00] =	vst v63  }
0x5a: {  	_ =	swait.ge [sflag:s11], $0x8000  }
0x5b: {  	[sflag:s11] =	ssyncset.done $0x0  }
0x5c: {  	s26 =	simm.s32 $0x4780;
	[sflag:s11] =	ssyncadd.s32 $0xFFFF8000  }
0x5d: {  	[spmem:s2] =	stream.indirect.scatter.add.f32 [tilespmem:s10], [sflag:$0x2], $0x20, s26, s9, $0xb8;
	[tilespmem:$0x11E00] =	vst v63  }
0x5e: {  	_ =	swait.ge [sflag:s4], $0x8000  }
0x5f: {  	s28 =	simm.s32 $0x380;
	[sflag:s4] =	ssyncset.done $0x0  }
0x60: {  	s29 =	simm.s32 $0x2400;
	s1 =	smul.u32 $0x9E0, s0;
	[sflag:s4] =	ssyncadd.s32 $0xFFFF8000  }
0x61: {  	[tilespmem:s10], [sflag:$0x1] =	stream.indirect.gather [hbm4b:s8+s28], $0x20, s29, s28, $0xb8;
	[tilespmem:$0x11E00] =	vst v63  }
0x62: {  	s0 =	smul.u32 $0x9E00, s31;
	_ =	swait.ge [sflag:s11], $0x7000  }
0x63: {  	s30 =	simm.s32 $0x4B80;
	[sflag:s11] =	ssyncset.done $0x0  }
0x64: {  	s31 =	ssub.s32 $0x2, s31;
	s0 =	sadd.s32 s1, s0;
	[sflag:s11] =	ssyncadd.s32 $0xFFFF9000  }
0x65: {  	[spmem:s2] =	stream.indirect.scatter.add.f32 [tilespmem:s10], [sflag:$0x2], $0x20, s30, s28, $0xb8;
	[tilespmem:$0x11E00] =	vst v63  }
0x66: {  	s1 =	sshrl.u32 s31, $0x1;
	_ =	swait.ge [sflag:s4], $0x7000;
	[dreg:$0x6] =	wrdreg s0  }
0x67: {  	[dreg:$0x7] =	wrdreg s1  }
0x68: {  	[sflag:s4] =	ssyncset.done $0x0;
	s1 =	rddreg [dreg:$0x6]  }
0x69: {  	s0 =	rddreg [dreg:$0x0]  }
0x6a: {  	s0 =	sadd.s32 s1, s0;
	s1 =	rddreg [dreg:$0x7]  }
0x6b: {  	s1 =	ssub.s32 s31, s1  }
0x6c: {  	s1 =	smax.u32 s1, $0x1  }
0x6d: {  	p0 =	sne.s32 s1, $0x1  }
.Ltmp0:
0x6e: {  	_ = 	snop;
	(pc) =	sbr.rel @!p0 .LBB2_2-.Ltmp0, $4  }
0x6f: {  	[sflag:s4] =	ssyncadd.s32 $0xFFFF9000  }
0x70: {  	[bflag:$0x0] =	sbarrier.arrive $0xFFFF;
	s31 =	sadd.s32 $0x16400, s0  }
0x71: {  	[hbm:s31], [sflag:s6] =	dma.local [spmem:s7], $0x9E0  }
0x72: {  	s1 =	sadd.s32 $0xFFFFFFFF, s1;
	_ =	swait.ge [sflag:s4], $0x9E0  }
.LBB2_1:
0x73: {  	[sflag:s4] =	ssyncset.done $0x0  }
0x74: {  	s0 =	rddreg [dreg:$0x3];
	[sflag:s4] =	ssyncadd.s32 $0xFFFFF620  }
0x75: {  	[tilespmem:s3], [sflag:$0x2] =	stream.linear.gather [hbm4b:s0+s3], $0x2780, $0x38;
	[tilespmem:$0x11E00] =	vst v63  }
0x76: {  	_ =	swait.ge [sflag:s4], $0x2780  }
0x77: {  	[sflag:s4] =	ssyncset.done $0x0  }
0x78: {  	s0 =	rddreg [dreg:$0x4];
	[sflag:s4] =	ssyncadd.s32 $0xFFFFD880  }
0x79: {  	[tilespmem:s5], [sflag:$0x2] =	stream.linear.gather [hbm4b:s0+s3], $0x2780, $0x38;
	[tilespmem:$0x11E00] =	vst v63  }
0x7a: {  	_ =	swait.ge [sflag:s4], $0x2780  }
0x7b: {  	[sflag:s4] =	ssyncset.done $0x0  }
0x7c: {  	s0 =	rddreg [dreg:$0x5];
	[sflag:s4] =	ssyncadd.s32 $0xFFFFD880  }
0x7d: {  	[spmem:s7], [sflag:s6] =	dma.local [hbm:s0], $0x9E0  }
0x7e: {  	_ =	swait.ge [sflag:s4], $0x9E0  }
0x7f: {  	[sflag:s4] =	ssyncset.done $0x0  }
0x80: {  	[sflag:s4] =	ssyncadd.s32 $0xFFFFF620  }
0x81: {  	[bflag:$0x0] =	sbarrier.arrive $0xFFFF  }
0x82: {  	[tilespmem:s10], [sflag:$0x1] =	stream.indirect.gather [hbm4b:s8+s9], $0x20, s3, s9, $0xb8;
	[tilespmem:$0x11E00] =	vst v63  }
0x83: {  	_ =	swait.ge [sflag:s11], $0x8000  }
0x84: {  	[sflag:s11] =	ssyncset.done $0x0  }
0x85: {  	[sflag:s11] =	ssyncadd.s32 $0xFFFF8000  }
0x86: {  	[spmem:s2] =	stream.indirect.scatter.add.f32 [tilespmem:s10], [sflag:$0x2], $0x20, s5, s9, $0xb8;
	[tilespmem:$0x11E00] =	vst v63  }
0x87: {  	_ =	swait.ge [sflag:s4], $0x8000  }
0x88: {  	[sflag:s4] =	ssyncset.done $0x0  }
0x89: {  	[sflag:s4] =	ssyncadd.s32 $0xFFFF8000  }
0x8a: {  	[tilespmem:s10], [sflag:$0x1] =	stream.indirect.gather [hbm4b:s8+s9], $0x20, s9, s9, $0xb8;
	[tilespmem:$0x11E00] =	vst v63  }
0x8b: {  	_ =	swait.ge [sflag:s11], $0x8000  }
0x8c: {  	[sflag:s11] =	ssyncset.done $0x0  }
0x8d: {  	[sflag:s11] =	ssyncadd.s32 $0xFFFF8000  }
0x8e: {  	[spmem:s2] =	stream.indirect.scatter.add.f32 [tilespmem:s10], [sflag:$0x2], $0x20, s12, s9, $0xb8;
	[tilespmem:$0x11E00] =	vst v63  }
0x8f: {  	_ =	swait.ge [sflag:s4], $0x8000  }
0x90: {  	[sflag:s4] =	ssyncset.done $0x0  }
0x91: {  	[sflag:s4] =	ssyncadd.s32 $0xFFFF8000  }
0x92: {  	[tilespmem:s10], [sflag:$0x1] =	stream.indirect.gather [hbm4b:s8+s9], $0x20, s13, s9, $0xb8;
	[tilespmem:$0x11E00] =	vst v63  }
0x93: {  	_ =	swait.ge [sflag:s11], $0x8000  }
0x94: {  	[sflag:s11] =	ssyncset.done $0x0  }
0x95: {  	[sflag:s11] =	ssyncadd.s32 $0xFFFF8000  }
0x96: {  	[spmem:s2] =	stream.indirect.scatter.add.f32 [tilespmem:s10], [sflag:$0x2], $0x20, s14, s9, $0xb8;
	[tilespmem:$0x11E00] =	vst v63  }
0x97: {  	_ =	swait.ge [sflag:s4], $0x8000  }
0x98: {  	[sflag:s4] =	ssyncset.done $0x0  }
0x99: {  	[sflag:s4] =	ssyncadd.s32 $0xFFFF8000  }
0x9a: {  	[tilespmem:s10], [sflag:$0x1] =	stream.indirect.gather [hbm4b:s8+s9], $0x20, s15, s9, $0xb8;
	[tilespmem:$0x11E00] =	vst v63  }
0x9b: {  	_ =	swait.ge [sflag:s11], $0x8000  }
0x9c: {  	[sflag:s11] =	ssyncset.done $0x0  }
0x9d: {  	[sflag:s11] =	ssyncadd.s32 $0xFFFF8000  }
0x9e: {  	[spmem:s2] =	stream.indirect.scatter.add.f32 [tilespmem:s10], [sflag:$0x2], $0x20, s16, s9, $0xb8;
	[tilespmem:$0x11E00] =	vst v63  }
0x9f: {  	_ =	swait.ge [sflag:s4], $0x8000  }
0xa0: {  	[sflag:s4] =	ssyncset.done $0x0  }
0xa1: {  	[sflag:s4] =	ssyncadd.s32 $0xFFFF8000  }
0xa2: {  	[tilespmem:s10], [sflag:$0x1] =	stream.indirect.gather [hbm4b:s8+s9], $0x20, s17, s9, $0xb8;
	[tilespmem:$0x11E00] =	vst v63  }
0xa3: {  	_ =	swait.ge [sflag:s11], $0x8000  }
0xa4: {  	[sflag:s11] =	ssyncset.done $0x0  }
0xa5: {  	[sflag:s11] =	ssyncadd.s32 $0xFFFF8000  }
0xa6: {  	[spmem:s2] =	stream.indirect.scatter.add.f32 [tilespmem:s10], [sflag:$0x2], $0x20, s18, s9, $0xb8;
	[tilespmem:$0x11E00] =	vst v63  }
0xa7: {  	_ =	swait.ge [sflag:s4], $0x8000  }
0xa8: {  	[sflag:s4] =	ssyncset.done $0x0  }
0xa9: {  	[sflag:s4] =	ssyncadd.s32 $0xFFFF8000  }
0xaa: {  	[tilespmem:s10], [sflag:$0x1] =	stream.indirect.gather [hbm4b:s8+s9], $0x20, s19, s9, $0xb8;
	[tilespmem:$0x11E00] =	vst v63  }
0xab: {  	_ =	swait.ge [sflag:s11], $0x8000  }
0xac: {  	[sflag:s11] =	ssyncset.done $0x0  }
0xad: {  	[sflag:s11] =	ssyncadd.s32 $0xFFFF8000  }
0xae: {  	[spmem:s2] =	stream.indirect.scatter.add.f32 [tilespmem:s10], [sflag:$0x2], $0x20, s20, s9, $0xb8;
	[tilespmem:$0x11E00] =	vst v63  }
0xaf: {  	_ =	swait.ge [sflag:s4], $0x8000  }
0xb0: {  	[sflag:s4] =	ssyncset.done $0x0  }
0xb1: {  	[sflag:s4] =	ssyncadd.s32 $0xFFFF8000  }
0xb2: {  	[tilespmem:s10], [sflag:$0x1] =	stream.indirect.gather [hbm4b:s8+s9], $0x20, s21, s9, $0xb8;
	[tilespmem:$0x11E00] =	vst v63  }
0xb3: {  	_ =	swait.ge [sflag:s11], $0x8000  }
0xb4: {  	[sflag:s11] =	ssyncset.done $0x0  }
0xb5: {  	[sflag:s11] =	ssyncadd.s32 $0xFFFF8000  }
0xb6: {  	[spmem:s2] =	stream.indirect.scatter.add.f32 [tilespmem:s10], [sflag:$0x2], $0x20, s22, s9, $0xb8;
	[tilespmem:$0x11E00] =	vst v63  }
0xb7: {  	_ =	swait.ge [sflag:s4], $0x8000  }
0xb8: {  	[sflag:s4] =	ssyncset.done $0x0  }
0xb9: {  	[sflag:s4] =	ssyncadd.s32 $0xFFFF8000  }
0xba: {  	[tilespmem:s10], [sflag:$0x1] =	stream.indirect.gather [hbm4b:s8+s9], $0x20, s23, s9, $0xb8;
	[tilespmem:$0x11E00] =	vst v63  }
0xbb: {  	_ =	swait.ge [sflag:s11], $0x8000  }
0xbc: {  	[sflag:s11] =	ssyncset.done $0x0  }
0xbd: {  	[sflag:s11] =	ssyncadd.s32 $0xFFFF8000  }
0xbe: {  	[spmem:s2] =	stream.indirect.scatter.add.f32 [tilespmem:s10], [sflag:$0x2], $0x20, s24, s9, $0xb8;
	[tilespmem:$0x11E00] =	vst v63  }
0xbf: {  	_ =	swait.ge [sflag:s4], $0x8000  }
0xc0: {  	[sflag:s4] =	ssyncset.done $0x0  }
0xc1: {  	[sflag:s4] =	ssyncadd.s32 $0xFFFF8000  }
0xc2: {  	[tilespmem:s10], [sflag:$0x1] =	stream.indirect.gather [hbm4b:s8+s9], $0x20, s25, s9, $0xb8;
	[tilespmem:$0x11E00] =	vst v63  }
0xc3: {  	_ =	swait.ge [sflag:s11], $0x8000  }
0xc4: {  	[sflag:s11] =	ssyncset.done $0x0  }
0xc5: {  	[sflag:s11] =	ssyncadd.s32 $0xFFFF8000  }
0xc6: {  	[spmem:s2] =	stream.indirect.scatter.add.f32 [tilespmem:s10], [sflag:$0x2], $0x20, s26, s9, $0xb8;
	[tilespmem:$0x11E00] =	vst v63  }
0xc7: {  	_ =	swait.ge [sflag:s4], $0x8000  }
0xc8: {  	[sflag:s4] =	ssyncset.done $0x0  }
0xc9: {  	[sflag:s4] =	ssyncadd.s32 $0xFFFF8000  }
0xca: {  	[tilespmem:s10], [sflag:$0x1] =	stream.indirect.gather [hbm4b:s8+s28], $0x20, s29, s28, $0xb8;
	[tilespmem:$0x11E00] =	vst v63  }
0xcb: {  	_ =	swait.ge [sflag:s11], $0x7000  }
0xcc: {  	[sflag:s11] =	ssyncset.done $0x0  }
0xcd: {  	[sflag:s11] =	ssyncadd.s32 $0xFFFF9000  }
0xce: {  	[spmem:s2] =	stream.indirect.scatter.add.f32 [tilespmem:s10], [sflag:$0x2], $0x20, s30, s28, $0xb8;
	[tilespmem:$0x11E00] =	vst v63  }
0xcf: {  	p0 =	sne.s32 s1, $0x1;
	_ =	swait.ge [sflag:s4], $0x7000  }
.Ltmp1:
0xd0: {  	[sflag:s4] =	ssyncset.done $0x0;
	(pc) =	sbr.rel @p0 .LBB2_1-.Ltmp1, $4  }
0xd1: {  	[sflag:s4] =	ssyncadd.s32 $0xFFFF9000  }
0xd2: {  	[bflag:$0x0] =	sbarrier.arrive $0xFFFF  }
0xd3: {  	[hbm:s31], [sflag:s6] =	dma.local [spmem:s7], $0x9E0  }
0xd4: {  	s1 =	sadd.s32 $0xFFFFFFFF, s1;
	_ =	swait.ge [sflag:s4], $0x9E0  }
.LBB2_2:
0xd5: {  	[sflag:s4] =	ssyncset.done $0x0  }
0xd6: {  	[sflag:s4] =	ssyncadd.s32 $0xFFFFF620  }
0xd7: {  	_ =	sfence.sel $0x180000  }
0xd8: {  	[bflag:$0x0] =	sbarrier.arrive $0xFFFF  }
0xd9: {  	_ =	strace $0x9000004D  }
0xda: {  	s0 =	stileid.u32;
	[bflag:$0x2] =	sbarrier.arrive $0xFFFF  }
0xdb: {  	p0 =	sne.s32 s0, $0x0;
	s0 =	rddreg [dreg:$0x2]  }
0xdc: {  	s0 =	sadd.s32 @!p0 $0x100000, s0  }
0xdd: {  	[sflag:s0] =	ssyncadd.tile.s32 @!p0 $0x1;
	_ =	shalt  }
.Lfunc_end2:
_tile_overlayer_lowered:
.L_overlay_start_2:
0xde: {  	(tag) =	ssettag $0x2  }
0xdf: {  	s0 =	rddreg [dreg:$0x0];
	s2 =	stileid.u32  }
0xe0: {  	s1 =	rddreg [dreg:$0x1];
	p0 =	sne.s32 s2, $0x0  }
0xe1: {  	s3 =	rddreg [dreg:$0x2];
	[bflag:$0x3] =	sbarrier.arrive $0xFFFF;
	s2 =	simm.s32 @!p0 $0x1C02  }
0xe2: {  	[timem:s3], [sflag:s2] =	dma.local @!p0 [hbm:s0], s1  }
0xe3: {  	s0 =	simm.s32 @!p0 $0x2  }
0xe4: {  	_ =	swait.ge @!p0 [sflag:s0], s1  }
0xe5: {  	s1 =	ssub.s32 @!p0 $0x0, s1;
	[sflag:s0] =	ssyncset.done @!p0 $0x0  }
0xe6: {  	[sflag:s0] =	ssyncadd.s32 @!p0 s1  }
0xe7: {  	[bflag:$0x3] =	sbarrier.arrive $0xFFFF  }
0xe8: {  	_ =	shalt  }

// kernel: kernel.9.cloned.1.call-start
scs
__scs_entry_jumppad:
0x0: {  	(pc) =	sbr.rel $0x88, $3  }
0x1: {  	(tag) =	ssettag $0x0;
	lr =	simm.s32 $0x1  }
0x2: {  	[smem:$0x3F91] =	sst lr;
	_ =	strace $0xD0000000  }
0x3: {  	_ = 	snop  }
0x4: {  	_ = 	snop  }
0x5: {  	_ = 	snop  }
0x6: {  	_ = 	snop  }
0x7: {  	_ = 	snop  }
__scs_overlays_trampoline_lowered:
0x8: {  	[smem:$0x3FA0] =	sst s0  }
0x9: {  	[smem:$0x3FA1] =	sst s1  }
0xa: {  	[smem:$0x3FA2] =	sst s2  }
0xb: {  	[smem:$0x3FA3] =	sst s3  }
0xc: {  	[smem:$0x3FA4] =	sst s4  }
0xd: {  	[smem:$0x3FA5] =	sst s5  }
0xe: {  	[smem:$0x3FA6] =	sst s6  }
0xf: {  	[smem:$0x3FA7] =	sst s7  }
0x10: {  	[smem:$0x3FA8] =	sst s8  }
0x11: {  	[smem:$0x3FA9] =	sst s9;
	s0 =	simm.s32 @!p0 $0x0  }
0x12: {  	s1 =	sld [smem:$0x3F8F];
	s0 =	simm.s32 @p0 $0x1  }
0x13: {  	[smem:$0x3FAA] =	sst s0;
	s0 =	simm.s32 @!p1 $0x0  }
0x14: {  	s2 =	sld [smem:$0x3F8E];
	s0 =	simm.s32 @p1 $0x1  }
0x15: {  	[smem:$0x3FAB] =	sst s0;
	s0 =	simm.s32 @!p2 $0x0  }
0x16: {  	s3 =	sld [smem:$0x3FDB];
	s0 =	simm.s32 @p2 $0x1  }
0x17: {  	s4 =	simm.s32 $0x1BF5;
	[smem:$0x3FAD] =	sst s0  }
0x18: {  	s0 =	sld [smem:$0x3F90];
	_ =	swait.ge [sflag:s4], $0x0  }
0x19: {  	s7 =	sld [smem:$0x3F91]  }
0x1a: {  	s8 =	sadd.s32 $0xFFFFE003, lr  }
0x1b: {  	s9 =	sadd.s32 $0xFFFFFEF7, lr;
	s5 =	simm.s32 $0xFFFFFFFF;
	p2 =	slt.u32 s8, $0xFFFFF086  }
0x1c: {  	p1 =	slt.u32 s9, $0xF7A;
	s5 =	simm.s32 @!p2 $0x0  }
0x1d: {  	s5 =	simm.s32 @p1 $0x1;
	p0 =	seq.s32 s7, s2  }
0x1e: {  	s7 =	smul.u32 @!p0 $0xF7A, s2;
	p2 =	seq.s32 @!p0 s5, $0x0  }
0x1f: {  	s9 =	smul.u32 $0xF7A, s1;
	s8 =	simm.s32 @!p0 $0x1BF5;
	p2 =	por !p2, p0  }
0x20: {  	[sflag:s8] =	ssyncset.s32 @!p0 $0xFFFFF086;
	s6 =	sadd.s32 @!p0 s3, s7;
	s7 =	simm.s32 @!p0 $0x108  }
0x21: {  	s3 =	sadd.s32 s3, s9;
	s6 =	sadd.s32 @!p0 $0x88, s6;
	s7 =	simm.s32 @p2 $0x1082  }
0x22: {  	[simem:s7], [sflag:s8] =	dma.local @!p0 [hbm:s6], $0xF7A  }
0x23: {  	s9 =	sor.u32 $0xD0000000, s2;
	s6 =	simm.s32 $0x108;
	_ =	swait.ge @!p0 [sflag:s8], $0x0  }
0x24: {  	s3 =	sadd.s32 $0x88, s3;
	s6 =	simm.s32 @!p1 $0x1082;
	[sflag:s4] =	ssyncset.s32 $0xFFFFF086  }
0x25: {  	[simem:s6], [sflag:s4] =	dma.local [hbm:s3], $0xF7A  }
0x26: {  	[smem:$0x3F91] =	sst s1;
	(tag) =	ssettag s2;
	_ =	strace s9  }
0x27: {  	s1 =	sld [smem:$0x3FA1]  }
0x28: {  	s2 =	sld [smem:$0x3FA2]  }
0x29: {  	s4 =	sld [smem:$0x3FA4]  }
0x2a: {  	p0 =	seq.s32 s5, $0x0;
	s5 =	sld [smem:$0x3FA5]  }
0x2b: {  	s6 =	sld [smem:$0x3FA6]  }
0x2c: {  	s7 =	sld [smem:$0x3FA7]  }
0x2d: {  	s3 =	simm.s32 $0x108;
	s8 =	sld [smem:$0x3FA8]  }
0x2e: {  	s3 =	simm.s32 @!p0 $0x1082;
	s9 =	sld [smem:$0x3FA9]  }
0x2f: {  	lr =	sadd.s32 s0, s3;
	s0 =	sld [smem:$0x3FA0]  }
0x30: {  	s3 =	sld [smem:$0x3FA3]  }
0x31: {  	[smem:$0x3FAC] =	sst s10  }
0x32: {  	s10 =	sld [smem:$0x3FAA];
	_ =	sdelay $0x3  }
0x33: {  	p0 =	seq.s32 s10, $0x1;
	s10 =	sld [smem:$0x3FAC];
	_ =	sdelay $0x3  }
0x34: {  	[smem:$0x3FAC] =	sst s10  }
0x35: {  	s10 =	sld [smem:$0x3FAB];
	_ =	sdelay $0x3  }
0x36: {  	p1 =	seq.s32 s10, $0x1;
	s10 =	sld [smem:$0x3FAC];
	_ =	sdelay $0x3  }
0x37: {  	[smem:$0x3FAC] =	sst s10  }
0x38: {  	s10 =	sld [smem:$0x3FAD]  }
0x39: {  	_ = 	snop;
	(pc) =	sbr.ind lr, $3  }
0x3a: {  	_ = 	snop  }
0x3b: {  	_ = 	snop  }
0x3c: {  	p2 =	seq.s32 s10, $0x1;
	s10 =	sld [smem:$0x3FAC]  }
0x3d: {  	_ =	shalt  }
0x3e: {  	_ =	shalt  }
0x3f: {  	_ =	shalt  }
0x40: {  	_ =	shalt  }
0x41: {  	_ =	shalt  }
0x42: {  	_ =	shalt  }
0x43: {  	_ =	shalt  }
0x44: {  	_ =	shalt  }
0x45: {  	_ =	shalt  }
0x46: {  	_ =	shalt  }
0x47: {  	_ =	shalt  }
0x48: {  	_ =	shalt  }
0x49: {  	_ =	shalt  }
0x4a: {  	_ =	shalt  }
0x4b: {  	_ =	shalt  }
0x4c: {  	_ =	shalt  }
0x4d: {  	_ =	shalt  }
0x4e: {  	_ =	shalt  }
0x4f: {  	_ =	shalt  }
0x50: {  	_ =	shalt  }
0x51: {  	_ =	shalt  }
0x52: {  	_ =	shalt  }
0x53: {  	_ =	shalt  }
0x54: {  	_ =	shalt  }
0x55: {  	_ =	shalt  }
0x56: {  	_ =	shalt  }
0x57: {  	_ =	shalt  }
0x58: {  	_ =	shalt  }
0x59: {  	_ =	shalt  }
0x5a: {  	_ =	shalt  }
0x5b: {  	_ =	shalt  }
0x5c: {  	_ =	shalt  }
0x5d: {  	_ =	shalt  }
0x5e: {  	_ =	shalt  }
0x5f: {  	_ =	shalt  }
0x60: {  	_ =	shalt  }
0x61: {  	_ =	shalt  }
0x62: {  	_ =	shalt  }
0x63: {  	_ =	shalt  }
0x64: {  	_ =	shalt  }
0x65: {  	_ =	shalt  }
0x66: {  	_ =	shalt  }
0x67: {  	_ =	shalt  }
0x68: {  	_ =	shalt  }
0x69: {  	_ =	shalt  }
0x6a: {  	_ =	shalt  }
0x6b: {  	_ =	shalt  }
0x6c: {  	_ =	shalt  }
0x6d: {  	_ =	shalt  }
0x6e: {  	_ =	shalt  }
0x6f: {  	_ =	shalt  }
0x70: {  	_ =	shalt  }
0x71: {  	_ =	shalt  }
0x72: {  	_ =	shalt  }
0x73: {  	_ =	shalt  }
0x74: {  	_ =	shalt  }
0x75: {  	_ =	shalt  }
0x76: {  	_ =	shalt  }
0x77: {  	_ =	shalt  }
0x78: {  	_ =	shalt  }
0x79: {  	_ =	shalt  }
0x7a: {  	_ =	shalt  }
0x7b: {  	_ =	shalt  }
0x7c: {  	_ =	shalt  }
0x7d: {  	_ =	shalt  }
0x7e: {  	_ =	shalt  }
0x7f: {  	_ =	shalt  }
0x80: {  	_ =	shalt  }
0x81: {  	_ =	shalt  }
0x82: {  	_ =	shalt  }
0x83: {  	_ =	shalt  }
0x84: {  	_ =	shalt  }
0x85: {  	_ =	shalt  }
0x86: {  	_ =	shalt  }
0x87: {  	_ =	shalt  }
.Lfunc_end0:
.L_simem_size_0:
called_computation_lowered:
.L_overlay_start_0:
0x88: {  	s2 =	sld [smem:$0x3FD9]  }
0x89: {  	s3 =	sld [smem:$0x3FFE];
	_ =	sdelay $0x1  }
0x8a: {  	s1 =	srdreg.scid  }
0x8b: {  	s0 =	sand.u32 $0x1, s1  }
0x8c: {  	s16 =	sshll.u32 s0, $0xA;
	s2 =	sadd.s32 s3, s2  }
0x8d: {  	s2 =	sadd.s32 s2, s16  }
0x8e: {  	[smem:$0x3FB8] =	sst s2  }
0x8f: {  	_ = 	snop  }
0x90: {  	(tm) =	ssettm $0x1  }
0x91: {  	s17 =	sld [smem:$0x3FFB];
	_ =	sdelay $0x3  }
0x92: {  	_ =	strace s17  }
0x93: {  	s2 =	sld [smem:$0x3FFC];
	_ =	sdelay $0x3  }
0x94: {  	_ =	strace s2  }
0x95: {  	s2 =	sld [smem:$0x3FFD];
	_ =	sdelay $0x3  }
0x96: {  	_ =	strace s2  }
0x97: {  	_ =	strace $0x8FFFFFFF  }
0x98: {  	s18 =	sld [smem:$0x3FDB];
	_ =	sdelay $0x1  }
0x99: {  	s19 =	simm.s32 $_scs_section_size  }
0x9a: {  	s4 =	simm.s32 $_size__tile_overlayer_lowered;
	s5 =	simm.s32 $_tile_overlayer_lowered  }
0x9b: {  	s22 =	simm.s32 $0x1BFF;
	s21 =	sshll.u32 s5, $0x1;
	s2 =	sadd.s32 s19, s18  }
0x9c: {  	s6 =	simm.s32 $0x0;
	s20 =	sshll.u32 s4, $0x1;
	s4 =	sadd.s32 s21, s2  }
0x9d: {  	[timem:s6], [sflag:s22] =	dma.local [hbm:s4], s20  }
0x9e: {  	_ =	swait.ge [sflag:s22], s20  }
0x9f: {  	s3 =	ssub.s32 $0x0, s20;
	[sflag:s22] =	ssyncset.done $0x0  }
0xa0: {  	[sflag:s22] =	ssyncadd.s32 s3;
	_ =	sdelay $0x1  }
0xa1: {  	s23 =	simm.s32 $0x1B8B  }
0xa2: {  	_ =	swait.ge [sflag:s23], $0x1  }
0xa3: {  	[sflag:s23] =	ssyncset.done $0x0  }
0xa4: {  	s25 =	simm.s32 $0x1B8E;
	s24 =	sld [smem:$0x3FFE];
	[sflag:s23] =	ssyncadd.s32 $0xFFFFFFFF  }
0xa5: {  	s26 =	simm.s32 $execute0_lowered;
	[smem:$0x3FD2] =	sst s25  }
0xa6: {  	s4 =	sshll.u32 s26, $0x1;
	_ =	strace $0x80000046;
	[dreg:$0x1] =	wrdreg $0xFFFFFFFF  }
0xa7: {  	s28 =	simm.s32 $_size_execute0_lowered;
	s2 =	sadd.s32 s2, s4;
	[dreg:$0x0] =	wrdreg $0x0  }
0xa8: {  	s4 =	sshll.u32 s28, $0x1;
	[dreg:$0x2] =	wrdreg s2  }
0xa9: {  	[dreg:$0x3] =	wrdreg s4  }
0xaa: {  	[dreg:$0x4] =	wrdreg $0xC0  }
0xab: {  	_ =	task [dreg:s6], $0x5FFFF  }
0xac: {  	[dreg:$0x1] =	wrdreg $0xFFFFFFFF  }
0xad: {  	[dreg:$0x0] =	wrdreg $0x60  }
0xae: {  	[dreg:$0x2] =	wrdreg s24  }
0xaf: {  	[dreg:$0x3] =	wrdreg $0x97000  }
0xb0: {  	[dreg:$0x4] =	wrdreg $0x9  }
0xb1: {  	_ =	task.clear_ibuf [dreg:s6], $0x5FFFF;
	_ =	strace $0x90000046  }
0xb2: {  	s29 =	simm.s32 $0x9;
	_ =	strace $0x80000048  }
0xb3: {  	_ =	swait.ge [sflag:s29], $0x1  }
0xb4: {  	[sflag:s29] =	ssyncadd.s32 $0xFFFFFFFF  }
0xb5: {  	_ =	strace $0x90000048  }
0xb6: {  	_ =	sfence  }
0xb7: {  	s30 =	sld [smem:$0x0];
	_ =	sdelay $0x2  }
0xb8: {  	s31 =	sshll.u32 s1, $0xD;
	s1 =	sshrl.u32 s1, $0x2  }
0xb9: {  	s3 =	sand.u32 $0x4000, s31;
	s1 =	sadd.s32 s1, s30  }
0xba: {  	s0 =	sor.u32 s3, s0;
	s1 =	sshll.u32 s1, $0x11  }
0xbb: {  	s0 =	sor.u32 s1, s0  }
0xbc: {  	s0 =	sadd.s32 $0x8F2B, s0  }
0xbd: {  	[sflag:s0] =	ssyncadd.remote.s32 $0x1  }
0xbe: {  	_ =	sfence.sel $0xFFFF  }
0xbf: {  	[dreg:$0x0] =	wrdreg $0xFFFFFFFF;
	(pc) =	sbr.abs _section_cstart, $3  }
0xc0: {  	[dreg:$0x1] =	wrdreg $0xFFFFFFFF  }
0xc1: {  	_ =	task.clear_ibuf [dreg:s6], $0x2FFFF;
	_ =	strace $0x9FFFFFFF  }
0xc2: {  	(tm) =	ssettm $0x7FFFFFFF  }
0xc3: {  	_ =	shalt  }
tec
execute0_lowered:
.L_overlay_start_1:
0x0: {  	(tag) =	ssettag $0x1  }
0x1: {  	s6 =	rddreg [dreg:$0x0]  }
0x2: {  	s0 =	srdreg.scid;
	s2 =	rddreg [dreg:$0x1]  }
0x3: {  	s3 =	simm.s32 $0x0;
	s14 =	simm.s32 $0x80;
	s15 =	simm.s32 $0x4F00  }
0x4: {  	s16 =	simm.s32 $0x1;
	s5 =	sand.u32 $0x1, s0;
	s0 =	stileid.u32  }
0x5: {  	s17 =	simm.s32 $0x0;
	[smem:$0x7FF] =	sst s3;
	s8 =	smul.u32 $0x16380, s0  }
0x6: {  	s4 =	sadd.s32 $0x2800, s6;
	s1 =	sshll.u32 s5, $0x4;
	s9 =	smul.u32 $0x2C70, s0  }
0x7: {  	s10 =	smul.u32 $0x2C700, s5;
	s5 =	ssub.s32 $0x2, s5;
	s12 =	sshll.u32 s0, $0x6  }
0x8: {  	s1 =	sor.u32 s0, s1;
	s31 =	sshrl.u32 s5, $0x1;
	s12 =	sor.u32 $0x1C02, s12  }
0x9: {  	s7 =	smul.u32 $0x4F0, s1;
	s1 =	rddreg [dreg:$0x2];
	_ =	strace $0x80000047  }
0xa: {  	s11 =	sshrl.u32 s8, $0x3;
	s9 =	sadd.s32 s9, s10;
	s10 =	ssub.s32 s5, s31  }
0xb: {  	s13 =	sadd.s32 s8, s2;
	s11 =	sadd.s32 s11, s6;
	s9 =	sadd.s32 s9, s6  }
0xc: {  	s13 =	sshrl.u32 s13, $0x3;
	s7 =	sadd.s32 s7, s6;
	s8 =	sadd.s32 $0x6F400, s9  }
0xd: {  	s9 =	smax.u32 s10, $0x1;
	s10 =	simm.s32 $0x2;
	s5 =	sadd.s32 $0x38E00, s7  }
0xe: {  	s6 =	sadd.s32 $0x2F000, s7;
	s7 =	sadd.s32 $0x42C00, s11;
	s11 =	simm.s32 $0x2780  }
.LBB2_1:
0xf: {  	[tilespmem:s3], [sflag:$0x2] =	stream.linear.gather [hbm4b:s5+s3], $0x2780, $0x38;
	[tilespmem:$0x1FA80] =	vst v63  }
0x10: {  	_ =	swait.ge [sflag:s10], $0x2780  }
0x11: {  	[sflag:s10] =	ssyncset.done $0x0  }
0x12: {  	[sflag:s10] =	ssyncadd.s32 $0xFFFFD880  }
0x13: {  	[tilespmem:s11], [sflag:$0x2] =	stream.linear.gather [hbm4b:s6+s3], $0x2780, $0x38;
	[tilespmem:$0x1FA80] =	vst v63  }
0x14: {  	_ =	swait.ge [sflag:s10], $0x2780  }
0x15: {  	[sflag:s10] =	ssyncset.done $0x0  }
0x16: {  	[sflag:s10] =	ssyncadd.s32 $0xFFFFD880  }
0x17: {  	[spmem:s13], [sflag:s12] =	dma.local [hbm:s7], $0x2C70  }
0x18: {  	_ =	swait.ge [sflag:s10], $0x2C70  }
0x19: {  	[sflag:s10] =	ssyncset.done $0x0  }
0x1a: {  	[sflag:s10] =	ssyncadd.s32 $0xFFFFD390  }
0x1b: {  	s18 =	simm.s32 $0x0;
	[bflag:$0x0] =	sbarrier.arrive $0xFFFF  }
0x1c: {  	[tilespmem:s15], [sflag:$0x1] =	stream.indirect.gather [hbm4b:s4+s14], $0x90, s18, s14, $0xb8;
	[tilespmem:$0x1FA80] =	vst v63  }
0x1d: {  	_ =	swait.ge [sflag:s16], $0x4800  }
0x1e: {  	[sflag:s16] =	ssyncset.done $0x0  }
0x1f: {  	s31 =	simm.s32 $0x2780;
	[sflag:s16] =	ssyncadd.s32 $0xFFFFB800  }
0x20: {  	[spmem:s2] =	stream.indirect.scatter.add.f32 [tilespmem:s15], [sflag:$0x2], $0x90, s31, s14, $0xb8;
	[tilespmem:$0x1FA80] =	vst v63  }
0x21: {  	_ =	swait.ge [sflag:s10], $0x4800  }
0x22: {  	s19 =	simm.s32 $0x400;
	s18 =	simm.s32 $0x200;
	[sflag:s10] =	ssyncset.done $0x0  }
.LBB2_2:
0x23: {  	s20 =	sshra.s32 s18, $0x2  }
0x24: {  	[sflag:s10] =	ssyncadd.s32 $0xFFFFB800;
	s18 =	smov.u32 s19;
	s21 =	sadd.s32 $0x200, s19  }
0x25: {  	[tilespmem:s15], [sflag:$0x1] =	stream.indirect.gather [hbm4b:s4+s14], $0x90, s20, s14, $0xb8;
	[tilespmem:$0x1FA80] =	vst v63  }
0x26: {  	p0 =	sne.s32 s19, $0x9C00;
	_ =	swait.ge [sflag:s16], $0x4800  }
.Ltmp0:
0x27: {  	[sflag:s16] =	ssyncset.done $0x0;
	(pc) =	sbr.rel @p0 .LBB2_2-.Ltmp0, $4  }
0x28: {  	s19 =	sadd.s32 $0x2780, s20;
	[sflag:s16] =	ssyncadd.s32 $0xFFFFB800  }
0x29: {  	[spmem:s2] =	stream.indirect.scatter.add.f32 [tilespmem:s15], [sflag:$0x2], $0x90, s19, s14, $0xb8;
	[tilespmem:$0x1FA80] =	vst v63  }
0x2a: {  	_ =	swait.ge [sflag:s10], $0x4800  }
0x2b: {  	s19 =	smov.u32 s21;
	[sflag:s10] =	ssyncset.done $0x0  }
0x2c: {  	s18 =	sshra.s32 s18, $0x2;
	[sflag:s10] =	ssyncadd.s32 $0xFFFFB800  }
0x2d: {  	[tilespmem:s15], [sflag:$0x1] =	stream.indirect.gather [hbm4b:s4+s14], $0x90, s18, s14, $0xb8;
	[tilespmem:$0x1FA80] =	vst v63  }
0x2e: {  	_ =	swait.ge [sflag:s16], $0x4800  }
0x2f: {  	[sflag:s16] =	ssyncset.done $0x0  }
0x30: {  	s18 =	sadd.s32 $0x2780, s18;
	[sflag:s16] =	ssyncadd.s32 $0xFFFFB800  }
0x31: {  	[spmem:s2] =	stream.indirect.scatter.add.f32 [tilespmem:s15], [sflag:$0x2], $0x90, s18, s14, $0xb8;
	[tilespmem:$0x1FA80] =	vst v63  }
0x32: {  	_ =	swait.ge [sflag:s10], $0x4800  }
0x33: {  	s17 =	sadd.s32 $0x1, s17;
	[sflag:s10] =	ssyncset.done $0x0  }
0x34: {  	p0 =	sne.s32 s17, s9;
	[sflag:s10] =	ssyncadd.s32 $0xFFFFB800  }
.Ltmp1:
0x35: {  	[bflag:$0x0] =	sbarrier.arrive $0xFFFF;
	(pc) =	sbr.rel @p0 .LBB2_1-.Ltmp1, $4  }
0x36: {  	[hbm:s8], [sflag:s12] =	dma.local [spmem:s13], $0x2C70  }
0x37: {  	_ =	swait.ge [sflag:s10], $0x2C70  }
0x38: {  	[sflag:s10] =	ssyncset.done $0x0  }
0x39: {  	[sflag:s10] =	ssyncadd.s32 $0xFFFFD390  }
0x3a: {  	_ =	sfence.sel $0x180000  }
0x3b: {  	[bflag:$0x0] =	sbarrier.arrive $0xFFFF  }
0x3c: {  	p0 =	sne.s32 s0, $0x0;
	_ =	strace $0x90000047  }
0x3d: {  	s0 =	sadd.s32 @!p0 $0x100000, s1;
	[bflag:$0x2] =	sbarrier.arrive $0xFFFF  }
0x3e: {  	[sflag:s0] =	ssyncadd.tile.s32 @!p0 $0x1;
	_ =	shalt  }
.Lfunc_end2:
_tile_overlayer_lowered:
.L_overlay_start_2:
0x3f: {  	(tag) =	ssettag $0x2  }
0x40: {  	s0 =	rddreg [dreg:$0x0];
	s2 =	stileid.u32  }
0x41: {  	s1 =	rddreg [dreg:$0x1];
	p0 =	sne.s32 s2, $0x0  }
0x42: {  	s3 =	rddreg [dreg:$0x2];
	[bflag:$0x3] =	sbarrier.arrive $0xFFFF;
	s2 =	simm.s32 @!p0 $0x1C02  }
0x43: {  	[timem:s3], [sflag:s2] =	dma.local @!p0 [hbm:s0], s1  }
0x44: {  	s0 =	simm.s32 @!p0 $0x2  }
0x45: {  	_ =	swait.ge @!p0 [sflag:s0], s1  }
0x46: {  	s1 =	ssub.s32 @!p0 $0x0, s1;
	[sflag:s0] =	ssyncset.done @!p0 $0x0  }
0x47: {  	[sflag:s0] =	ssyncadd.s32 @!p0 s1  }
0x48: {  	[bflag:$0x3] =	sbarrier.arrive $0xFFFF  }
0x49: {  	_ =	shalt  }

</sc_bundles>
